<compile_context>
chip_gen: v7x
topology: tpu7x:2x2x1
jax: 0.10.2.dev20260603
libtpu: 0.0.44.dev20260713+nightly
codegen_flags: <defaults>
</compile_context>

<pallas_src>
import functools

import jax
import jax.numpy as jnp
from jax import lax
from jax.experimental import pallas as pl
from jax.experimental.pallas import tpu as pltpu
from jax.experimental.pallas import tpu_sc as plsc

_NUM_CORES = 2
_NUM_SUBCORES = 16
_NUM_WORKERS = _NUM_CORES * _NUM_SUBCORES
_LANES = 16


@functools.lru_cache(maxsize=None)
def _make_broadcast_kernel(E: int, D: int):
    rows_per_worker = E // _NUM_WORKERS
    assert E % _NUM_WORKERS == 0 and D % _LANES == 0

    chunk_rows = 200
    while rows_per_worker % chunk_rows or chunk_rows % 8:
        chunk_rows //= 2
    n_chunks = rows_per_worker // chunk_rows

    mesh = plsc.VectorSubcoreMesh(core_axis_name="c", subcore_axis_name="s")

    @functools.partial(
        pl.kernel,
        mesh=mesh,
        out_type=jax.ShapeDtypeStruct((E, D), jnp.float32),
        scratch_types=[
            pltpu.VMEM((chunk_rows, D), jnp.float32),
            pltpu.SemaphoreType.DMA,
        ],
    )
    def bcast(table_hbm, out_hbm, buf, sem):
        wid = lax.axis_index("s") * _NUM_CORES + lax.axis_index("c")
        base = wid * rows_per_worker

        pltpu.sync_copy(table_hbm, buf.at[pl.ds(0, 1)])

        regs = [buf[0, pl.ds(j * _LANES, _LANES)] for j in range(D // _LANES)]

        def fill(i, carry):
            for j in range(D // _LANES):
                buf[i, pl.ds(j * _LANES, _LANES)] = regs[j]
            return carry

        lax.fori_loop(1, chunk_rows, fill, 0, unroll=8)

        copies = [
            pltpu.async_copy(
                buf, out_hbm.at[pl.ds(base + i * chunk_rows, chunk_rows)], sem
            )
            for i in range(n_chunks)
        ]
        for c in copies:
            c.wait()

    return bcast


def kernel(edge_index, table):
    E = edge_index.shape[1]
    D = table.shape[1]
    return _make_broadcast_kernel(E, D)(table)

# --- scband reference (transcript-rebuilt; emitter-appended) ---
"""Pipeline reference for scband-dummy-edge-encoder-72610717106378 (READ-ONLY COPY).

The authoritative reference and input builder live on the scoring server;
editing this copy changes nothing except your own understanding.
"""

import jax, jax.numpy as jnp
import numpy as np

OUT_DIM = 128
N_NODES = 10000
N_EDGES = 320000

def setup_inputs(seed: int = 0) -> dict:
    key = jax.random.key(seed)
    k1, k2 = jax.random.split(key)
    edge_index = jax.random.randint(k1, (2, N_EDGES), 0, N_NODES, dtype=jnp.int64) if jax.config.jax_enable_x64 else jax.random.randint(k1, (2, N_EDGES), 0, N_NODES, dtype=jnp.int32)
    # Embedding table: num_embeddings=1, embedding_dim=OUT_DIM (nn.Embedding default init ~ N(0,1))
    table = jax.random.normal(k2, (1, OUT_DIM), dtype=jnp.float32)
    return {"edge_index": edge_index, "table": table}

def reference(edge_index, table):
    # dummy_x = edge_index.new_zeros(edge_index.size(1))
    E = edge_index.shape[1]
    dummy_x = jnp.zeros((E,), dtype=jnp.int32)
    # edge_h = self.encoder(dummy_x)  -> embedding gather
    edge_h = jnp.take(table, dummy_x, axis=0)
    return edge_h

if __name__ == "__main__":
    import jax
    _d = setup_inputs()
    print(jax.jit(kernel)(*tuple(_d.values())))

</pallas_src>

<mosaic_0001>
#map = affine_map<(d0, d1) -> (0, 0)>
module attributes {stable_mosaic.version = 14 : i64} {
  func.func @bcast(%arg0: i32, %arg1: i32, %arg2: memref<1x128xf32, #tpu.memory_space<hbm>>, %arg3: memref<320000x128xf32, #tpu.memory_space<hbm>>, %arg4: memref<200x128xf32, #tpu.memory_space<vmem>>, %arg5: memref<!tpu.dma_semaphore, #tpu.memory_space<semaphore_mem>>) attributes {dimension_semantics = [#tpu.dimension_semantics<core_parallel>, #tpu.dimension_semantics<subcore_parallel>], iteration_bounds = array<i64: 2, 16>, scalar_prefetch = 0 : i64, scratch_operands = 2 : i64, tpu.core_type = #tpu.core_type<sc_vector_subcore>, window_params = [{transform_indices = #map}, {transform_indices = #map}]} {
    %mul3A = arith.constant 2 : i32
    %mul3A_0 = arith.muli %arg1, %mul3A : i32
    %add3A = arith.addi %mul3A_0, %arg0 : i32
    %mul3A_1 = arith.constant 10000 : i32
    %mul3A_2 = arith.muli %add3A, %mul3A_1 : i32
    "tpu.region"() ({
      %run_scoped3A = tpu.sem_alloc : memref<!tpu.dma_semaphore, #tpu.memory_space<semaphore_mem>>
      %dma_start3A_838 = arith.constant 0 : i32
      %dma_start3A_839 = arith.constant 0 : i32
      %dma_start3A_840 = tpu.memref_slice %arg4[%dma_start3A_838, %dma_start3A_839] : memref<200x128xf32, #tpu.memory_space<vmem>> -> memref<1x128xf32, #tpu.memory_space<vmem>>
      %dma_start3A_841 = arith.constant 0 : i32
      %dma_start3A_842 = arith.constant 0 : i32
      %dma_start3A_843 = tpu.memref_slice %arg4[%dma_start3A_841, %dma_start3A_842] : memref<200x128xf32, #tpu.memory_space<vmem>> -> memref<1x128xf32, #tpu.memory_space<vmem>>
      tpu.enqueue_dma source(%arg2 : memref<1x128xf32, #tpu.memory_space<hbm>>) target(%dma_start3A_843 : memref<1x128xf32, #tpu.memory_space<vmem>>) target_semaphore(%run_scoped3A : memref<!tpu.dma_semaphore, #tpu.memory_space<semaphore_mem>>)
      %dma_wait3A_844 = arith.constant 0 : i32
      %dma_wait3A_845 = arith.constant 0 : i32
      %dma_wait3A_846 = tpu.memref_slice %arg4[%dma_wait3A_844, %dma_wait3A_845] : memref<200x128xf32, #tpu.memory_space<vmem>> -> memref<1x128xf32, #tpu.memory_space<vmem>>
      %dma_wait3A_847 = arith.constant 0 : i32
      %dma_wait3A_848 = arith.constant 0 : i32
      %dma_wait3A_849 = tpu.memref_slice %arg4[%dma_wait3A_847, %dma_wait3A_848] : memref<200x128xf32, #tpu.memory_space<vmem>> -> memref<1x128xf32, #tpu.memory_space<vmem>>
      tpu.wait_dma2 semaphore(%run_scoped3A : memref<!tpu.dma_semaphore, #tpu.memory_space<semaphore_mem>>) src(%arg2 : memref<1x128xf32, #tpu.memory_space<hbm>>) dst(%dma_wait3A_849 : memref<1x128xf32, #tpu.memory_space<vmem>>)
      tpu.yield
    }) : () -> ()
    %get3A = arith.constant 0 : i32
    %get3A_3 = arith.index_cast %get3A : i32 to index
    %get3A_4 = arith.constant 0 : index
    %get3A_5 = tpu.vector_load %arg4[%get3A_3, %get3A_4] {strides = array<i32>} : memref<200x128xf32, #tpu.memory_space<vmem>>, vector<1x16xf32>,
    %get3A_6 = vector.shape_cast %get3A_5 : vector<1x16xf32> to vector<16xf32>
    %get3A_7 = arith.constant 0 : i32
    %get3A_8 = arith.index_cast %get3A_7 : i32 to index
    %get3A_9 = arith.constant 16 : index
    %get3A_10 = tpu.vector_load %arg4[%get3A_8, %get3A_9] {strides = array<i32>} : memref<200x128xf32, #tpu.memory_space<vmem>>, vector<1x16xf32>,
    %get3A_11 = vector.shape_cast %get3A_10 : vector<1x16xf32> to vector<16xf32>
    %get3A_12 = arith.constant 0 : i32
    %get3A_13 = arith.index_cast %get3A_12 : i32 to index
    %get3A_14 = arith.constant 32 : index
    %get3A_15 = tpu.vector_load %arg4[%get3A_13, %get3A_14] {strides = array<i32>} : memref<200x128xf32, #tpu.memory_space<vmem>>, vector<1x16xf32>,
    %get3A_16 = vector.shape_cast %get3A_15 : vector<1x16xf32> to vector<16xf32>
    %get3A_17 = arith.constant 0 : i32
    %get3A_18 = arith.index_cast %get3A_17 : i32 to index
    %get3A_19 = arith.constant 48 : index
    %get3A_20 = tpu.vector_load %arg4[%get3A_18, %get3A_19] {strides = array<i32>} : memref<200x128xf32, #tpu.memory_space<vmem>>, vector<1x16xf32>,
    %get3A_21 = vector.shape_cast %get3A_20 : vector<1x16xf32> to vector<16xf32>
    %get3A_22 = arith.constant 0 : i32
    %get3A_23 = arith.index_cast %get3A_22 : i32 to index
    %get3A_24 = arith.constant 64 : index
    %get3A_25 = tpu.vector_load %arg4[%get3A_23, %get3A_24] {strides = array<i32>} : memref<200x128xf32, #tpu.memory_space<vmem>>, vector<1x16xf32>,
    %get3A_26 = vector.shape_cast %get3A_25 : vector<1x16xf32> to vector<16xf32>
    %get3A_27 = arith.constant 0 : i32
    %get3A_28 = arith.index_cast %get3A_27 : i32 to index
    %get3A_29 = arith.constant 80 : index
    %get3A_30 = tpu.vector_load %arg4[%get3A_28, %get3A_29] {strides = array<i32>} : memref<200x128xf32, #tpu.memory_space<vmem>>, vector<1x16xf32>,
    %get3A_31 = vector.shape_cast %get3A_30 : vector<1x16xf32> to vector<16xf32>
    %get3A_32 = arith.constant 0 : i32
    %get3A_33 = arith.index_cast %get3A_32 : i32 to index
    %get3A_34 = arith.constant 96 : index
    %get3A_35 = tpu.vector_load %arg4[%get3A_33, %get3A_34] {strides = array<i32>} : memref<200x128xf32, #tpu.memory_space<vmem>>, vector<1x16xf32>,
    %get3A_36 = vector.shape_cast %get3A_35 : vector<1x16xf32> to vector<16xf32>
    %get3A_37 = arith.constant 0 : i32
    %get3A_38 = arith.index_cast %get3A_37 : i32 to index
    %get3A_39 = arith.constant 112 : index
    %get3A_40 = tpu.vector_load %arg4[%get3A_38, %get3A_39] {strides = array<i32>} : memref<200x128xf32, #tpu.memory_space<vmem>>, vector<1x16xf32>,
    %get3A_41 = vector.shape_cast %get3A_40 : vector<1x16xf32> to vector<16xf32>
    %scan3A = arith.constant 0 : i32
    %scan3A_42 = arith.constant 1 : i32
    %scan3A_43 = arith.constant 192 : i32
    %scan3A_44 = arith.addi %scan3A_42, %scan3A_43 : i32
    %scan3A_45 = arith.constant 8 : i32
    scf.for %scan3A_838 = %scan3A_42 to %scan3A_44 step %scan3A_45  : i32 {
      %swap3A_839 = arith.index_cast %scan3A_838 : i32 to index
      %swap3A_840 = arith.constant 0 : index
      %swap3A_841 = tpu.vector_load %arg4[%swap3A_839, %swap3A_840] {strides = array<i32>} : memref<200x128xf32, #tpu.memory_space<vmem>>, vector<1x16xf32>,
      %swap3A_842 = vector.shape_cast %swap3A_841 : vector<1x16xf32> to vector<16xf32>
      %swap3A_843 = vector.shape_cast %get3A_6 : vector<16xf32> to vector<1x16xf32>
      tpu.vector_store %arg4[%swap3A_839, %swap3A_840], %swap3A_843 {strides = array<i32>} : memref<200x128xf32, #tpu.memory_space<vmem>>, vector<1x16xf32>,
      %swap3A_844 = arith.index_cast %scan3A_838 : i32 to index
      %swap3A_845 = arith.constant 16 : index
      %swap3A_846 = tpu.vector_load %arg4[%swap3A_844, %swap3A_845] {strides = array<i32>} : memref<200x128xf32, #tpu.memory_space<vmem>>, vector<1x16xf32>,
      %swap3A_847 = vector.shape_cast %swap3A_846 : vector<1x16xf32> to vector<16xf32>
      %swap3A_848 = vector.shape_cast %get3A_11 : vector<16xf32> to vector<1x16xf32>
      tpu.vector_store %arg4[%swap3A_844, %swap3A_845], %swap3A_848 {strides = array<i32>} : memref<200x128xf32, #tpu.memory_space<vmem>>, vector<1x16xf32>,
      %swap3A_849 = arith.index_cast %scan3A_838 : i32 to index
      %swap3A_850 = arith.constant 32 : index
      %swap3A_851 = tpu.vector_load %arg4[%swap3A_849, %swap3A_850] {strides = array<i32>} : memref<200x128xf32, #tpu.memory_space<vmem>>, vector<1x16xf32>,
      %swap3A_852 = vector.shape_cast %swap3A_851 : vector<1x16xf32> to vector<16xf32>
      %swap3A_853 = vector.shape_cast %get3A_16 : vector<16xf32> to vector<1x16xf32>
      tpu.vector_store %arg4[%swap3A_849, %swap3A_850], %swap3A_853 {strides = array<i32>} : memref<200x128xf32, #tpu.memory_space<vmem>>, vector<1x16xf32>,
      %swap3A_854 = arith.index_cast %scan3A_838 : i32 to index
      %swap3A_855 = arith.constant 48 : index
      %swap3A_856 = tpu.vector_load %arg4[%swap3A_854, %swap3A_855] {strides = array<i32>} : memref<200x128xf32, #tpu.memory_space<vmem>>, vector<1x16xf32>,
      %swap3A_857 = vector.shape_cast %swap3A_856 : vector<1x16xf32> to vector<16xf32>
      %swap3A_858 = vector.shape_cast %get3A_21 : vector<16xf32> to vector<1x16xf32>
      tpu.vector_store %arg4[%swap3A_854, %swap3A_855], %swap3A_858 {strides = array<i32>} : memref<200x128xf32, #tpu.memory_space<vmem>>, vector<1x16xf32>,
      %swap3A_859 = arith.index_cast %scan3A_838 : i32 to index
      %swap3A_860 = arith.constant 64 : index
      %swap3A_861 = tpu.vector_load %arg4[%swap3A_859, %swap3A_860] {strides = array<i32>} : memref<200x128xf32, #tpu.memory_space<vmem>>, vector<1x16xf32>,
      %swap3A_862 = vector.shape_cast %swap3A_861 : vector<1x16xf32> to vector<16xf32>
      %swap3A_863 = vector.shape_cast %get3A_26 : vector<16xf32> to vector<1x16xf32>
      tpu.vector_store %arg4[%swap3A_859, %swap3A_860], %swap3A_863 {strides = array<i32>} : memref<200x128xf32, #tpu.memory_space<vmem>>, vector<1x16xf32>,
      %swap3A_864 = arith.index_cast %scan3A_838 : i32 to index
      %swap3A_865 = arith.constant 80 : index
      %swap3A_866 = tpu.vector_load %arg4[%swap3A_864, %swap3A_865] {strides = array<i32>} : memref<200x128xf32, #tpu.memory_space<vmem>>, vector<1x16xf32>,
      %swap3A_867 = vector.shape_cast %swap3A_866 : vector<1x16xf32> to vector<16xf32>
      %swap3A_868 = vector.shape_cast %get3A_31 : vector<16xf32> to vector<1x16xf32>
      tpu.vector_store %arg4[%swap3A_864, %swap3A_865], %swap3A_868 {strides = array<i32>} : memref<200x128xf32, #tpu.memory_space<vmem>>, vector<1x16xf32>,
      %swap3A_869 = arith.index_cast %scan3A_838 : i32 to index
      %swap3A_870 = arith.constant 96 : index
      %swap3A_871 = tpu.vector_load %arg4[%swap3A_869, %swap3A_870] {strides = array<i32>} : memref<200x128xf32, #tpu.memory_space<vmem>>, vector<1x16xf32>,
      %swap3A_872 = vector.shape_cast %swap3A_871 : vector<1x16xf32> to vector<16xf32>
      %swap3A_873 = vector.shape_cast %get3A_36 : vector<16xf32> to vector<1x16xf32>
      tpu.vector_store %arg4[%swap3A_869, %swap3A_870], %swap3A_873 {strides = array<i32>} : memref<200x128xf32, #tpu.memory_space<vmem>>, vector<1x16xf32>,
      %swap3A_874 = arith.index_cast %scan3A_838 : i32 to index
      %swap3A_875 = arith.constant 112 : index
      %swap3A_876 = tpu.vector_load %arg4[%swap3A_874, %swap3A_875] {strides = array<i32>} : memref<200x128xf32, #tpu.memory_space<vmem>>, vector<1x16xf32>,
      %swap3A_877 = vector.shape_cast %swap3A_876 : vector<1x16xf32> to vector<16xf32>
      %swap3A_878 = vector.shape_cast %get3A_41 : vector<16xf32> to vector<1x16xf32>
      tpu.vector_store %arg4[%swap3A_874, %swap3A_875], %swap3A_878 {strides = array<i32>} : memref<200x128xf32, #tpu.memory_space<vmem>>, vector<1x16xf32>,
      %scan3A_879 = arith.constant 1 : i32
      %scan3A_880 = arith.addi %scan3A_838, %scan3A_879 : i32
      %swap3A_881 = arith.index_cast %scan3A_880 : i32 to index
      %swap3A_882 = arith.constant 0 : index
      %swap3A_883 = tpu.vector_load %arg4[%swap3A_881, %swap3A_882] {strides = array<i32>} : memref<200x128xf32, #tpu.memory_space<vmem>>, vector<1x16xf32>,
      %swap3A_884 = vector.shape_cast %swap3A_883 : vector<1x16xf32> to vector<16xf32>
      %swap3A_885 = vector.shape_cast %get3A_6 : vector<16xf32> to vector<1x16xf32>
      tpu.vector_store %arg4[%swap3A_881, %swap3A_882], %swap3A_885 {strides = array<i32>} : memref<200x128xf32, #tpu.memory_space<vmem>>, vector<1x16xf32>,
      %swap3A_886 = arith.index_cast %scan3A_880 : i32 to index
      %swap3A_887 = arith.constant 16 : index
      %swap3A_888 = tpu.vector_load %arg4[%swap3A_886, %swap3A_887] {strides = array<i32>} : memref<200x128xf32, #tpu.memory_space<vmem>>, vector<1x16xf32>,
      %swap3A_889 = vector.shape_cast %swap3A_888 : vector<1x16xf32> to vector<16xf32>
      %swap3A_890 = vector.shape_cast %get3A_11 : vector<16xf32> to vector<1x16xf32>
      tpu.vector_store %arg4[%swap3A_886, %swap3A_887], %swap3A_890 {strides = array<i32>} : memref<200x128xf32, #tpu.memory_space<vmem>>, vector<1x16xf32>,
      %swap3A_891 = arith.index_cast %scan3A_880 : i32 to index
      %swap3A_892 = arith.constant 32 : index
      %swap3A_893 = tpu.vector_load %arg4[%swap3A_891, %swap3A_892] {strides = array<i32>} : memref<200x128xf32, #tpu.memory_space<vmem>>, vector<1x16xf32>,
      %swap3A_894 = vector.shape_cast %swap3A_893 : vector<1x16xf32> to vector<16xf32>
      %swap3A_895 = vector.shape_cast %get3A_16 : vector<16xf32> to vector<1x16xf32>
      tpu.vector_store %arg4[%swap3A_891, %swap3A_892], %swap3A_895 {strides = array<i32>} : memref<200x128xf32, #tpu.memory_space<vmem>>, vector<1x16xf32>,
      %swap3A_896 = arith.index_cast %scan3A_880 : i32 to index
      %swap3A_897 = arith.constant 48 : index
      %swap3A_898 = tpu.vector_load %arg4[%swap3A_896, %swap3A_897] {strides = array<i32>} : memref<200x128xf32, #tpu.memory_space<vmem>>, vector<1x16xf32>,
      %swap3A_899 = vector.shape_cast %swap3A_898 : vector<1x16xf32> to vector<16xf32>
      %swap3A_900 = vector.shape_cast %get3A_21 : vector<16xf32> to vector<1x16xf32>
      tpu.vector_store %arg4[%swap3A_896, %swap3A_897], %swap3A_900 {strides = array<i32>} : memref<200x128xf32, #tpu.memory_space<vmem>>, vector<1x16xf32>,
      %swap3A_901 = arith.index_cast %scan3A_880 : i32 to index
      %swap3A_902 = arith.constant 64 : index
      %swap3A_903 = tpu.vector_load %arg4[%swap3A_901, %swap3A_902] {strides = array<i32>} : memref<200x128xf32, #tpu.memory_space<vmem>>, vector<1x16xf32>,
      %swap3A_904 = vector.shape_cast %swap3A_903 : vector<1x16xf32> to vector<16xf32>
      %swap3A_905 = vector.shape_cast %get3A_26 : vector<16xf32> to vector<1x16xf32>
      tpu.vector_store %arg4[%swap3A_901, %swap3A_902], %swap3A_905 {strides = array<i32>} : memref<200x128xf32, #tpu.memory_space<vmem>>, vector<1x16xf32>,
      %swap3A_906 = arith.index_cast %scan3A_880 : i32 to index
      %swap3A_907 = arith.constant 80 : index
      %swap3A_908 = tpu.vector_load %arg4[%swap3A_906, %swap3A_907] {strides = array<i32>} : memref<200x128xf32, #tpu.memory_space<vmem>>, vector<1x16xf32>,
      %swap3A_909 = vector.shape_cast %swap3A_908 : vector<1x16xf32> to vector<16xf32>
      %swap3A_910 = vector.shape_cast %get3A_31 : vector<16xf32> to vector<1x16xf32>
      tpu.vector_store %arg4[%swap3A_906, %swap3A_907], %swap3A_910 {strides = array<i32>} : memref<200x128xf32, #tpu.memory_space<vmem>>, vector<1x16xf32>,
      %swap3A_911 = arith.index_cast %scan3A_880 : i32 to index
      %swap3A_912 = arith.constant 96 : index
      %swap3A_913 = tpu.vector_load %arg4[%swap3A_911, %swap3A_912] {strides = array<i32>} : memref<200x128xf32, #tpu.memory_space<vmem>>, vector<1x16xf32>,
      %swap3A_914 = vector.shape_cast %swap3A_913 : vector<1x16xf32> to vector<16xf32>
      %swap3A_915 = vector.shape_cast %get3A_36 : vector<16xf32> to vector<1x16xf32>
      tpu.vector_store %arg4[%swap3A_911, %swap3A_912], %swap3A_915 {strides = array<i32>} : memref<200x128xf32, #tpu.memory_space<vmem>>, vector<1x16xf32>,
      %swap3A_916 = arith.index_cast %scan3A_880 : i32 to index
      %swap3A_917 = arith.constant 112 : index
      %swap3A_918 = tpu.vector_load %arg4[%swap3A_916, %swap3A_917] {strides = array<i32>} : memref<200x128xf32, #tpu.memory_space<vmem>>, vector<1x16xf32>,
      %swap3A_919 = vector.shape_cast %swap3A_918 : vector<1x16xf32> to vector<16xf32>
      %swap3A_920 = vector.shape_cast %get3A_41 : vector<16xf32> to vector<1x16xf32>
      tpu.vector_store %arg4[%swap3A_916, %swap3A_917], %swap3A_920 {strides = array<i32>} : memref<200x128xf32, #tpu.memory_space<vmem>>, vector<1x16xf32>,
      %scan3A_921 = arith.constant 2 : i32
      %scan3A_922 = arith.addi %scan3A_838, %scan3A_921 : i32
      %swap3A_923 = arith.index_cast %scan3A_922 : i32 to index
      %swap3A_924 = arith.constant 0 : index
      %swap3A_925 = tpu.vector_load %arg4[%swap3A_923, %swap3A_924] {strides = array<i32>} : memref<200x128xf32, #tpu.memory_space<vmem>>, vector<1x16xf32>,
      %swap3A_926 = vector.shape_cast %swap3A_925 : vector<1x16xf32> to vector<16xf32>
      %swap3A_927 = vector.shape_cast %get3A_6 : vector<16xf32> to vector<1x16xf32>
      tpu.vector_store %arg4[%swap3A_923, %swap3A_924], %swap3A_927 {strides = array<i32>} : memref<200x128xf32, #tpu.memory_space<vmem>>, vector<1x16xf32>,
      %swap3A_928 = arith.index_cast %scan3A_922 : i32 to index
      %swap3A_929 = arith.constant 16 : index
      %swap3A_930 = tpu.vector_load %arg4[%swap3A_928, %swap3A_929] {strides = array<i32>} : memref<200x128xf32, #tpu.memory_space<vmem>>, vector<1x16xf32>,
      %swap3A_931 = vector.shape_cast %swap3A_930 : vector<1x16xf32> to vector<16xf32>
      %swap3A_932 = vector.shape_cast %get3A_11 : vector<16xf32> to vector<1x16xf32>
      tpu.vector_store %arg4[%swap3A_928, %swap3A_929], %swap3A_932 {strides = array<i32>} : memref<200x128xf32, #tpu.memory_space<vmem>>, vector<1x16xf32>,
      %swap3A_933 = arith.index_cast %scan3A_922 : i32 to index
      %swap3A_934 = arith.constant 32 : index
      %swap3A_935 = tpu.vector_load %arg4[%swap3A_933, %swap3A_934] {strides = array<i32>} : memref<200x128xf32, #tpu.memory_space<vmem>>, vector<1x16xf32>,
      %swap3A_936 = vector.shape_cast %swap3A_935 : vector<1x16xf32> to vector<16xf32>
      %swap3A_937 = vector.shape_cast %get3A_16 : vector<16xf32> to vector<1x16xf32>
      tpu.vector_store %arg4[%swap3A_933, %swap3A_934], %swap3A_937 {strides = array<i32>} : memref<200x128xf32, #tpu.memory_space<vmem>>, vector<1x16xf32>,
      %swap3A_938 = arith.index_cast %scan3A_922 : i32 to index
      %swap3A_939 = arith.constant 48 : index
      %swap3A_940 = tpu.vector_load %arg4[%swap3A_938, %swap3A_939] {strides = array<i32>} : memref<200x128xf32, #tpu.memory_space<vmem>>, vector<1x16xf32>,
      %swap3A_941 = vector.shape_cast %swap3A_940 : vector<1x16xf32> to vector<16xf32>
      %swap3A_942 = vector.shape_cast %get3A_21 : vector<16xf32> to vector<1x16xf32>
      tpu.vector_store %arg4[%swap3A_938, %swap3A_939], %swap3A_942 {strides = array<i32>} : memref<200x128xf32, #tpu.memory_space<vmem>>, vector<1x16xf32>,
      %swap3A_943 = arith.index_cast %scan3A_922 : i32 to index
      %swap3A_944 = arith.constant 64 : index
      %swap3A_945 = tpu.vector_load %arg4[%swap3A_943, %swap3A_944] {strides = array<i32>} : memref<200x128xf32, #tpu.memory_space<vmem>>, vector<1x16xf32>,
      %swap3A_946 = vector.shape_cast %swap3A_945 : vector<1x16xf32> to vector<16xf32>
      %swap3A_947 = vector.shape_cast %get3A_26 : vector<16xf32> to vector<1x16xf32>
      tpu.vector_store %arg4[%swap3A_943, %swap3A_944], %swap3A_947 {strides = array<i32>} : memref<200x128xf32, #tpu.memory_space<vmem>>, vector<1x16xf32>,
      %swap3A_948 = arith.index_cast %scan3A_922 : i32 to index
      %swap3A_949 = arith.constant 80 : index
      %swap3A_950 = tpu.vector_load %arg4[%swap3A_948, %swap3A_949] {strides = array<i32>} : memref<200x128xf32, #tpu.memory_space<vmem>>, vector<1x16xf32>,
      %swap3A_951 = vector.shape_cast %swap3A_950 : vector<1x16xf32> to vector<16xf32>
      %swap3A_952 = vector.shape_cast %get3A_31 : vector<16xf32> to vector<1x16xf32>
      tpu.vector_store %arg4[%swap3A_948, %swap3A_949], %swap3A_952 {strides = array<i32>} : memref<200x128xf32, #tpu.memory_space<vmem>>, vector<1x16xf32>,
      %swap3A_953 = arith.index_cast %scan3A_922 : i32 to index
      %swap3A_954 = arith.constant 96 : index
      %swap3A_955 = tpu.vector_load %arg4[%swap3A_953, %swap3A_954] {strides = array<i32>} : memref<200x128xf32, #tpu.memory_space<vmem>>, vector<1x16xf32>,
      %swap3A_956 = vector.shape_cast %swap3A_955 : vector<1x16xf32> to vector<16xf32>
      %swap3A_957 = vector.shape_cast %get3A_36 : vector<16xf32> to vector<1x16xf32>
      tpu.vector_store %arg4[%swap3A_953, %swap3A_954], %swap3A_957 {strides = array<i32>} : memref<200x128xf32, #tpu.memory_space<vmem>>, vector<1x16xf32>,
      %swap3A_958 = arith.index_cast %scan3A_922 : i32 to index
      %swap3A_959 = arith.constant 112 : index
      %swap3A_960 = tpu.vector_load %arg4[%swap3A_958, %swap3A_959] {strides = array<i32>} : memref<200x128xf32, #tpu.memory_space<vmem>>, vector<1x16xf32>,
      %swap3A_961 = vector.shape_cast %swap3A_960 : vector<1x16xf32> to vector<16xf32>
      %swap3A_962 = vector.shape_cast %get3A_41 : vector<16xf32> to vector<1x16xf32>
      tpu.vector_store %arg4[%swap3A_958, %swap3A_959], %swap3A_962 {strides = array<i32>} : memref<200x128xf32, #tpu.memory_space<vmem>>, vector<1x16xf32>,
      %scan3A_963 = arith.constant 3 : i32
      %scan3A_964 = arith.addi %scan3A_838, %scan3A_963 : i32
      %swap3A_965 = arith.index_cast %scan3A_964 : i32 to index
      %swap3A_966 = arith.constant 0 : index
      %swap3A_967 = tpu.vector_load %arg4[%swap3A_965, %swap3A_966] {strides = array<i32>} : memref<200x128xf32, #tpu.memory_space<vmem>>, vector<1x16xf32>,
      %swap3A_968 = vector.shape_cast %swap3A_967 : vector<1x16xf32> to vector<16xf32>
      %swap3A_969 = vector.shape_cast %get3A_6 : vector<16xf32> to vector<1x16xf32>
      tpu.vector_store %arg4[%swap3A_965, %swap3A_966], %swap3A_969 {strides = array<i32>} : memref<200x128xf32, #tpu.memory_space<vmem>>, vector<1x16xf32>,
      %swap3A_970 = arith.index_cast %scan3A_964 : i32 to index
      %swap3A_971 = arith.constant 16 : index
      %swap3A_972 = tpu.vector_load %arg4[%swap3A_970, %swap3A_971] {strides = array<i32>} : memref<200x128xf32, #tpu.memory_space<vmem>>, vector<1x16xf32>,
      %swap3A_973 = vector.shape_cast %swap3A_972 : vector<1x16xf32> to vector<16xf32>
      %swap3A_974 = vector.shape_cast %get3A_11 : vector<16xf32> to vector<1x16xf32>
      tpu.vector_store %arg4[%swap3A_970, %swap3A_971], %swap3A_974 {strides = array<i32>} : memref<200x128xf32, #tpu.memory_space<vmem>>, vector<1x16xf32>,
      %swap3A_975 = arith.index_cast %scan3A_964 : i32 to index
      %swap3A_976 = arith.constant 32 : index
      %swap3A_977 = tpu.vector_load %arg4[%swap3A_975, %swap3A_976] {strides = array<i32>} : memref<200x128xf32, #tpu.memory_space<vmem>>, vector<1x16xf32>,
      %swap3A_978 = vector.shape_cast %swap3A_977 : vector<1x16xf32> to vector<16xf32>
      %swap3A_979 = vector.shape_cast %get3A_16 : vector<16xf32> to vector<1x16xf32>
      tpu.vector_store %arg4[%swap3A_975, %swap3A_976], %swap3A_979 {strides = array<i32>} : memref<200x128xf32, #tpu.memory_space<vmem>>, vector<1x16xf32>,
      %swap3A_980 = arith.index_cast %scan3A_964 : i32 to index
      %swap3A_981 = arith.constant 48 : index
      %swap3A_982 = tpu.vector_load %arg4[%swap3A_980, %swap3A_981] {strides = array<i32>} : memref<200x128xf32, #tpu.memory_space<vmem>>, vector<1x16xf32>,
      %swap3A_983 = vector.shape_cast %swap3A_982 : vector<1x16xf32> to vector<16xf32>
      %swap3A_984 = vector.shape_cast %get3A_21 : vector<16xf32> to vector<1x16xf32>
      tpu.vector_store %arg4[%swap3A_980, %swap3A_981], %swap3A_984 {strides = array<i32>} : memref<200x128xf32, #tpu.memory_space<vmem>>, vector<1x16xf32>,
      %swap3A_985 = arith.index_cast %scan3A_964 : i32 to index
      %swap3A_986 = arith.constant 64 : index
      %swap3A_987 = tpu.vector_load %arg4[%swap3A_985, %swap3A_986] {strides = array<i32>} : memref<200x128xf32, #tpu.memory_space<vmem>>, vector<1x16xf32>,
      %swap3A_988 = vector.shape_cast %swap3A_987 : vector<1x16xf32> to vector<16xf32>
      %swap3A_989 = vector.shape_cast %get3A_26 : vector<16xf32> to vector<1x16xf32>
      tpu.vector_store %arg4[%swap3A_985, %swap3A_986], %swap3A_989 {strides = array<i32>} : memref<200x128xf32, #tpu.memory_space<vmem>>, vector<1x16xf32>,
      %swap3A_990 = arith.index_cast %scan3A_964 : i32 to index
      %swap3A_991 = arith.constant 80 : index
      %swap3A_992 = tpu.vector_load %arg4[%swap3A_990, %swap3A_991] {strides = array<i32>} : memref<200x128xf32, #tpu.memory_space<vmem>>, vector<1x16xf32>,
      %swap3A_993 = vector.shape_cast %swap3A_992 : vector<1x16xf32> to vector<16xf32>
      %swap3A_994 = vector.shape_cast %get3A_31 : vector<16xf32> to vector<1x16xf32>
      tpu.vector_store %arg4[%swap3A_990, %swap3A_991], %swap3A_994 {strides = array<i32>} : memref<200x128xf32, #tpu.memory_space<vmem>>, vector<1x16xf32>,
      %swap3A_995 = arith.index_cast %scan3A_964 : i32 to index
      %swap3A_996 = arith.constant 96 : index
      %swap3A_997 = tpu.vector_load %arg4[%swap3A_995, %swap3A_996] {strides = array<i32>} : memref<200x128xf32, #tpu.memory_space<vmem>>, vector<1x16xf32>,
      %swap3A_998 = vector.shape_cast %swap3A_997 : vector<1x16xf32> to vector<16xf32>
      %swap3A_999 = vector.shape_cast %get3A_36 : vector<16xf32> to vector<1x16xf32>
      tpu.vector_store %arg4[%swap3A_995, %swap3A_996], %swap3A_999 {strides = array<i32>} : memref<200x128xf32, #tpu.memory_space<vmem>>, vector<1x16xf32>,
      %swap3A_1000 = arith.index_cast %scan3A_964 : i32 to index
      %swap3A_1001 = arith.constant 112 : index
      %swap3A_1002 = tpu.vector_load %arg4[%swap3A_1000, %swap3A_1001] {strides = array<i32>} : memref<200x128xf32, #tpu.memory_space<vmem>>, vector<1x16xf32>,
      %swap3A_1003 = vector.shape_cast %swap3A_1002 : vector<1x16xf32> to vector<16xf32>
      %swap3A_1004 = vector.shape_cast %get3A_41 : vector<16xf32> to vector<1x16xf32>
      tpu.vector_store %arg4[%swap3A_1000, %swap3A_1001], %swap3A_1004 {strides = array<i32>} : memref<200x128xf32, #tpu.memory_space<vmem>>, vector<1x16xf32>,
      %scan3A_1005 = arith.constant 4 : i32
      %scan3A_1006 = arith.addi %scan3A_838, %scan3A_1005 : i32
      %swap3A_1007 = arith.index_cast %scan3A_1006 : i32 to index
      %swap3A_1008 = arith.constant 0 : index
      %swap3A_1009 = tpu.vector_load %arg4[%swap3A_1007, %swap3A_1008] {strides = array<i32>} : memref<200x128xf32, #tpu.memory_space<vmem>>, vector<1x16xf32>,
      %swap3A_1010 = vector.shape_cast %swap3A_1009 : vector<1x16xf32> to vector<16xf32>
      %swap3A_1011 = vector.shape_cast %get3A_6 : vector<16xf32> to vector<1x16xf32>
      tpu.vector_store %arg4[%swap3A_1007, %swap3A_1008], %swap3A_1011 {strides = array<i32>} : memref<200x128xf32, #tpu.memory_space<vmem>>, vector<1x16xf32>,
      %swap3A_1012 = arith.index_cast %scan3A_1006 : i32 to index
      %swap3A_1013 = arith.constant 16 : index
      %swap3A_1014 = tpu.vector_load %arg4[%swap3A_1012, %swap3A_1013] {strides = array<i32>} : memref<200x128xf32, #tpu.memory_space<vmem>>, vector<1x16xf32>,
      %swap3A_1015 = vector.shape_cast %swap3A_1014 : vector<1x16xf32> to vector<16xf32>
      %swap3A_1016 = vector.shape_cast %get3A_11 : vector<16xf32> to vector<1x16xf32>
      tpu.vector_store %arg4[%swap3A_1012, %swap3A_1013], %swap3A_1016 {strides = array<i32>} : memref<200x128xf32, #tpu.memory_space<vmem>>, vector<1x16xf32>,
      %swap3A_1017 = arith.index_cast %scan3A_1006 : i32 to index
      %swap3A_1018 = arith.constant 32 : index
      %swap3A_1019 = tpu.vector_load %arg4[%swap3A_1017, %swap3A_1018] {strides = array<i32>} : memref<200x128xf32, #tpu.memory_space<vmem>>, vector<1x16xf32>,
      %swap3A_1020 = vector.shape_cast %swap3A_1019 : vector<1x16xf32> to vector<16xf32>
      %swap3A_1021 = vector.shape_cast %get3A_16 : vector<16xf32> to vector<1x16xf32>
      tpu.vector_store %arg4[%swap3A_1017, %swap3A_1018], %swap3A_1021 {strides = array<i32>} : memref<200x128xf32, #tpu.memory_space<vmem>>, vector<1x16xf32>,
      %swap3A_1022 = arith.index_cast %scan3A_1006 : i32 to index
      %swap3A_1023 = arith.constant 48 : index
      %swap3A_1024 = tpu.vector_load %arg4[%swap3A_1022, %swap3A_1023] {strides = array<i32>} : memref<200x128xf32, #tpu.memory_space<vmem>>, vector<1x16xf32>,
      %swap3A_1025 = vector.shape_cast %swap3A_1024 : vector<1x16xf32> to vector<16xf32>
      %swap3A_1026 = vector.shape_cast %get3A_21 : vector<16xf32> to vector<1x16xf32>
      tpu.vector_store %arg4[%swap3A_1022, %swap3A_1023], %swap3A_1026 {strides = array<i32>} : memref<200x128xf32, #tpu.memory_space<vmem>>, vector<1x16xf32>,
      %swap3A_1027 = arith.index_cast %scan3A_1006 : i32 to index
      %swap3A_1028 = arith.constant 64 : index
      %swap3A_1029 = tpu.vector_load %arg4[%swap3A_1027, %swap3A_1028] {strides = array<i32>} : memref<200x128xf32, #tpu.memory_space<vmem>>, vector<1x16xf32>,
      %swap3A_1030 = vector.shape_cast %swap3A_1029 : vector<1x16xf32> to vector<16xf32>
      %swap3A_1031 = vector.shape_cast %get3A_26 : vector<16xf32> to vector<1x16xf32>
      tpu.vector_store %arg4[%swap3A_1027, %swap3A_1028], %swap3A_1031 {strides = array<i32>} : memref<200x128xf32, #tpu.memory_space<vmem>>, vector<1x16xf32>,
      %swap3A_1032 = arith.index_cast %scan3A_1006 : i32 to index
      %swap3A_1033 = arith.constant 80 : index
      %swap3A_1034 = tpu.vector_load %arg4[%swap3A_1032, %swap3A_1033] {strides = array<i32>} : memref<200x128xf32, #tpu.memory_space<vmem>>, vector<1x16xf32>,
      %swap3A_1035 = vector.shape_cast %swap3A_1034 : vector<1x16xf32> to vector<16xf32>
      %swap3A_1036 = vector.shape_cast %get3A_31 : vector<16xf32> to vector<1x16xf32>
      tpu.vector_store %arg4[%swap3A_1032, %swap3A_1033], %swap3A_1036 {strides = array<i32>} : memref<200x128xf32, #tpu.memory_space<vmem>>, vector<1x16xf32>,
      %swap3A_1037 = arith.index_cast %scan3A_1006 : i32 to index
      %swap3A_1038 = arith.constant 96 : index
      %swap3A_1039 = tpu.vector_load %arg4[%swap3A_1037, %swap3A_1038] {strides = array<i32>} : memref<200x128xf32, #tpu.memory_space<vmem>>, vector<1x16xf32>,
      %swap3A_1040 = vector.shape_cast %swap3A_1039 : vector<1x16xf32> to vector<16xf32>
      %swap3A_1041 = vector.shape_cast %get3A_36 : vector<16xf32> to vector<1x16xf32>
      tpu.vector_store %arg4[%swap3A_1037, %swap3A_1038], %swap3A_1041 {strides = array<i32>} : memref<200x128xf32, #tpu.memory_space<vmem>>, vector<1x16xf32>,
      %swap3A_1042 = arith.index_cast %scan3A_1006 : i32 to index
      %swap3A_1043 = arith.constant 112 : index
      %swap3A_1044 = tpu.vector_load %arg4[%swap3A_1042, %swap3A_1043] {strides = array<i32>} : memref<200x128xf32, #tpu.memory_space<vmem>>, vector<1x16xf32>,
      %swap3A_1045 = vector.shape_cast %swap3A_1044 : vector<1x16xf32> to vector<16xf32>
      %swap3A_1046 = vector.shape_cast %get3A_41 : vector<16xf32> to vector<1x16xf32>
      tpu.vector_store %arg4[%swap3A_1042, %swap3A_1043], %swap3A_1046 {strides = array<i32>} : memref<200x128xf32, #tpu.memory_space<vmem>>, vector<1x16xf32>,
      %scan3A_1047 = arith.constant 5 : i32
      %scan3A_1048 = arith.addi %scan3A_838, %scan3A_1047 : i32
      %swap3A_1049 = arith.index_cast %scan3A_1048 : i32 to index
      %swap3A_1050 = arith.constant 0 : index
      %swap3A_1051 = tpu.vector_load %arg4[%swap3A_1049, %swap3A_1050] {strides = array<i32>} : memref<200x128xf32, #tpu.memory_space<vmem>>, vector<1x16xf32>,
      %swap3A_1052 = vector.shape_cast %swap3A_1051 : vector<1x16xf32> to vector<16xf32>
      %swap3A_1053 = vector.shape_cast %get3A_6 : vector<16xf32> to vector<1x16xf32>
      tpu.vector_store %arg4[%swap3A_1049, %swap3A_1050], %swap3A_1053 {strides = array<i32>} : memref<200x128xf32, #tpu.memory_space<vmem>>, vector<1x16xf32>,
      %swap3A_1054 = arith.index_cast %scan3A_1048 : i32 to index
      %swap3A_1055 = arith.constant 16 : index
      %swap3A_1056 = tpu.vector_load %arg4[%swap3A_1054, %swap3A_1055] {strides = array<i32>} : memref<200x128xf32, #tpu.memory_space<vmem>>, vector<1x16xf32>,
      %swap3A_1057 = vector.shape_cast %swap3A_1056 : vector<1x16xf32> to vector<16xf32>
      %swap3A_1058 = vector.shape_cast %get3A_11 : vector<16xf32> to vector<1x16xf32>
      tpu.vector_store %arg4[%swap3A_1054, %swap3A_1055], %swap3A_1058 {strides = array<i32>} : memref<200x128xf32, #tpu.memory_space<vmem>>, vector<1x16xf32>,
      %swap3A_1059 = arith.index_cast %scan3A_1048 : i32 to index
      %swap3A_1060 = arith.constant 32 : index
      %swap3A_1061 = tpu.vector_load %arg4[%swap3A_1059, %swap3A_1060] {strides = array<i32>} : memref<200x128xf32, #tpu.memory_space<vmem>>, vector<1x16xf32>,
      %swap3A_1062 = vector.shape_cast %swap3A_1061 : vector<1x16xf32> to vector<16xf32>
      %swap3A_1063 = vector.shape_cast %get3A_16 : vector<16xf32> to vector<1x16xf32>
      tpu.vector_store %arg4[%swap3A_1059, %swap3A_1060], %swap3A_1063 {strides = array<i32>} : memref<200x128xf32, #tpu.memory_space<vmem>>, vector<1x16xf32>,
      %swap3A_1064 = arith.index_cast %scan3A_1048 : i32 to index
      %swap3A_1065 = arith.constant 48 : index
      %swap3A_1066 = tpu.vector_load %arg4[%swap3A_1064, %swap3A_1065] {strides = array<i32>} : memref<200x128xf32, #tpu.memory_space<vmem>>, vector<1x16xf32>,
      %swap3A_1067 = vector.shape_cast %swap3A_1066 : vector<1x16xf32> to vector<16xf32>
      %swap3A_1068 = vector.shape_cast %get3A_21 : vector<16xf32> to vector<1x16xf32>
      tpu.vector_store %arg4[%swap3A_1064, %swap3A_1065], %swap3A_1068 {strides = array<i32>} : memref<200x128xf32, #tpu.memory_space<vmem>>, vector<1x16xf32>,
      %swap3A_1069 = arith.index_cast %scan3A_1048 : i32 to index
      %swap3A_1070 = arith.constant 64 : index
      %swap3A_1071 = tpu.vector_load %arg4[%swap3A_1069, %swap3A_1070] {strides = array<i32>} : memref<200x128xf32, #tpu.memory_space<vmem>>, vector<1x16xf32>,
      %swap3A_1072 = vector.shape_cast %swap3A_1071 : vector<1x16xf32> to vector<16xf32>
      %swap3A_1073 = vector.shape_cast %get3A_26 : vector<16xf32> to vector<1x16xf32>
      tpu.vector_store %arg4[%swap3A_1069, %swap3A_1070], %swap3A_1073 {strides = array<i32>} : memref<200x128xf32, #tpu.memory_space<vmem>>, vector<1x16xf32>,
      %swap3A_1074 = arith.index_cast %scan3A_1048 : i32 to index
      %swap3A_1075 = arith.constant 80 : index
      %swap3A_1076 = tpu.vector_load %arg4[%swap3A_1074, %swap3A_1075] {strides = array<i32>} : memref<200x128xf32, #tpu.memory_space<vmem>>, vector<1x16xf32>,
      %swap3A_1077 = vector.shape_cast %swap3A_1076 : vector<1x16xf32> to vector<16xf32>
      %swap3A_1078 = vector.shape_cast %get3A_31 : vector<16xf32> to vector<1x16xf32>
      tpu.vector_store %arg4[%swap3A_1074, %swap3A_1075], %swap3A_1078 {strides = array<i32>} : memref<200x128xf32, #tpu.memory_space<vmem>>, vector<1x16xf32>,
      %swap3A_1079 = arith.index_cast %scan3A_1048 : i32 to index
      %swap3A_1080 = arith.constant 96 : index
      %swap3A_1081 = tpu.vector_load %arg4[%swap3A_1079, %swap3A_1080] {strides = array<i32>} : memref<200x128xf32, #tpu.memory_space<vmem>>, vector<1x16xf32>,
      %swap3A_1082 = vector.shape_cast %swap3A_1081 : vector<1x16xf32> to vector<16xf32>
      %swap3A_1083 = vector.shape_cast %get3A_36 : vector<16xf32> to vector<1x16xf32>
      tpu.vector_store %arg4[%swap3A_1079, %swap3A_1080], %swap3A_1083 {strides = array<i32>} : memref<200x128xf32, #tpu.memory_space<vmem>>, vector<1x16xf32>,
      %swap3A_1084 = arith.index_cast %scan3A_1048 : i32 to index
      %swap3A_1085 = arith.constant 112 : index
      %swap3A_1086 = tpu.vector_load %arg4[%swap3A_1084, %swap3A_1085] {strides = array<i32>} : memref<200x128xf32, #tpu.memory_space<vmem>>, vector<1x16xf32>,
      %swap3A_1087 = vector.shape_cast %swap3A_1086 : vector<1x16xf32> to vector<16xf32>
      %swap3A_1088 = vector.shape_cast %get3A_41 : vector<16xf32> to vector<1x16xf32>
      tpu.vector_store %arg4[%swap3A_1084, %swap3A_1085], %swap3A_1088 {strides = array<i32>} : memref<200x128xf32, #tpu.memory_space<vmem>>, vector<1x16xf32>,
      %scan3A_1089 = arith.constant 6 : i32
      %scan3A_1090 = arith.addi %scan3A_838, %scan3A_1089 : i32
      %swap3A_1091 = arith.index_cast %scan3A_1090 : i32 to index
      %swap3A_1092 = arith.constant 0 : index
      %swap3A_1093 = tpu.vector_load %arg4[%swap3A_1091, %swap3A_1092] {strides = array<i32>} : memref<200x128xf32, #tpu.memory_space<vmem>>, vector<1x16xf32>,
      %swap3A_1094 = vector.shape_cast %swap3A_1093 : vector<1x16xf32> to vector<16xf32>
      %swap3A_1095 = vector.shape_cast %get3A_6 : vector<16xf32> to vector<1x16xf32>
      tpu.vector_store %arg4[%swap3A_1091, %swap3A_1092], %swap3A_1095 {strides = array<i32>} : memref<200x128xf32, #tpu.memory_space<vmem>>, vector<1x16xf32>,
      %swap3A_1096 = arith.index_cast %scan3A_1090 : i32 to index
      %swap3A_1097 = arith.constant 16 : index
      %swap3A_1098 = tpu.vector_load %arg4[%swap3A_1096, %swap3A_1097] {strides = array<i32>} : memref<200x128xf32, #tpu.memory_space<vmem>>, vector<1x16xf32>,
      %swap3A_1099 = vector.shape_cast %swap3A_1098 : vector<1x16xf32> to vector<16xf32>
      %swap3A_1100 = vector.shape_cast %get3A_11 : vector<16xf32> to vector<1x16xf32>
      tpu.vector_store %arg4[%swap3A_1096, %swap3A_1097], %swap3A_1100 {strides = array<i32>} : memref<200x128xf32, #tpu.memory_space<vmem>>, vector<1x16xf32>,
      %swap3A_1101 = arith.index_cast %scan3A_1090 : i32 to index
      %swap3A_1102 = arith.constant 32 : index
      %swap3A_1103 = tpu.vector_load %arg4[%swap3A_1101, %swap3A_1102] {strides = array<i32>} : memref<200x128xf32, #tpu.memory_space<vmem>>, vector<1x16xf32>,
      %swap3A_1104 = vector.shape_cast %swap3A_1103 : vector<1x16xf32> to vector<16xf32>
      %swap3A_1105 = vector.shape_cast %get3A_16 : vector<16xf32> to vector<1x16xf32>
      tpu.vector_store %arg4[%swap3A_1101, %swap3A_1102], %swap3A_1105 {strides = array<i32>} : memref<200x128xf32, #tpu.memory_space<vmem>>, vector<1x16xf32>,
      %swap3A_1106 = arith.index_cast %scan3A_1090 : i32 to index
      %swap3A_1107 = arith.constant 48 : index
      %swap3A_1108 = tpu.vector_load %arg4[%swap3A_1106, %swap3A_1107] {strides = array<i32>} : memref<200x128xf32, #tpu.memory_space<vmem>>, vector<1x16xf32>,
      %swap3A_1109 = vector.shape_cast %swap3A_1108 : vector<1x16xf32> to vector<16xf32>
      %swap3A_1110 = vector.shape_cast %get3A_21 : vector<16xf32> to vector<1x16xf32>
      tpu.vector_store %arg4[%swap3A_1106, %swap3A_1107], %swap3A_1110 {strides = array<i32>} : memref<200x128xf32, #tpu.memory_space<vmem>>, vector<1x16xf32>,
      %swap3A_1111 = arith.index_cast %scan3A_1090 : i32 to index
      %swap3A_1112 = arith.constant 64 : index
      %swap3A_1113 = tpu.vector_load %arg4[%swap3A_1111, %swap3A_1112] {strides = array<i32>} : memref<200x128xf32, #tpu.memory_space<vmem>>, vector<1x16xf32>,
      %swap3A_1114 = vector.shape_cast %swap3A_1113 : vector<1x16xf32> to vector<16xf32>
      %swap3A_1115 = vector.shape_cast %get3A_26 : vector<16xf32> to vector<1x16xf32>
      tpu.vector_store %arg4[%swap3A_1111, %swap3A_1112], %swap3A_1115 {strides = array<i32>} : memref<200x128xf32, #tpu.memory_space<vmem>>, vector<1x16xf32>,
      %swap3A_1116 = arith.index_cast %scan3A_1090 : i32 to index
      %swap3A_1117 = arith.constant 80 : index
      %swap3A_1118 = tpu.vector_load %arg4[%swap3A_1116, %swap3A_1117] {strides = array<i32>} : memref<200x128xf32, #tpu.memory_space<vmem>>, vector<1x16xf32>,
      %swap3A_1119 = vector.shape_cast %swap3A_1118 : vector<1x16xf32> to vector<16xf32>
      %swap3A_1120 = vector.shape_cast %get3A_31 : vector<16xf32> to vector<1x16xf32>
      tpu.vector_store %arg4[%swap3A_1116, %swap3A_1117], %swap3A_1120 {strides = array<i32>} : memref<200x128xf32, #tpu.memory_space<vmem>>, vector<1x16xf32>,
      %swap3A_1121 = arith.index_cast %scan3A_1090 : i32 to index
      %swap3A_1122 = arith.constant 96 : index
      %swap3A_1123 = tpu.vector_load %arg4[%swap3A_1121, %swap3A_1122] {strides = array<i32>} : memref<200x128xf32, #tpu.memory_space<vmem>>, vector<1x16xf32>,
      %swap3A_1124 = vector.shape_cast %swap3A_1123 : vector<1x16xf32> to vector<16xf32>
      %swap3A_1125 = vector.shape_cast %get3A_36 : vector<16xf32> to vector<1x16xf32>
      tpu.vector_store %arg4[%swap3A_1121, %swap3A_1122], %swap3A_1125 {strides = array<i32>} : memref<200x128xf32, #tpu.memory_space<vmem>>, vector<1x16xf32>,
      %swap3A_1126 = arith.index_cast %scan3A_1090 : i32 to index
      %swap3A_1127 = arith.constant 112 : index
      %swap3A_1128 = tpu.vector_load %arg4[%swap3A_1126, %swap3A_1127] {strides = array<i32>} : memref<200x128xf32, #tpu.memory_space<vmem>>, vector<1x16xf32>,
      %swap3A_1129 = vector.shape_cast %swap3A_1128 : vector<1x16xf32> to vector<16xf32>
      %swap3A_1130 = vector.shape_cast %get3A_41 : vector<16xf32> to vector<1x16xf32>
      tpu.vector_store %arg4[%swap3A_1126, %swap3A_1127], %swap3A_1130 {strides = array<i32>} : memref<200x128xf32, #tpu.memory_space<vmem>>, vector<1x16xf32>,
      %scan3A_1131 = arith.constant 7 : i32
      %scan3A_1132 = arith.addi %scan3A_838, %scan3A_1131 : i32
      %swap3A_1133 = arith.index_cast %scan3A_1132 : i32 to index
      %swap3A_1134 = arith.constant 0 : index
      %swap3A_1135 = tpu.vector_load %arg4[%swap3A_1133, %swap3A_1134] {strides = array<i32>} : memref<200x128xf32, #tpu.memory_space<vmem>>, vector<1x16xf32>,
      %swap3A_1136 = vector.shape_cast %swap3A_1135 : vector<1x16xf32> to vector<16xf32>
      %swap3A_1137 = vector.shape_cast %get3A_6 : vector<16xf32> to vector<1x16xf32>
      tpu.vector_store %arg4[%swap3A_1133, %swap3A_1134], %swap3A_1137 {strides = array<i32>} : memref<200x128xf32, #tpu.memory_space<vmem>>, vector<1x16xf32>,
      %swap3A_1138 = arith.index_cast %scan3A_1132 : i32 to index
      %swap3A_1139 = arith.constant 16 : index
      %swap3A_1140 = tpu.vector_load %arg4[%swap3A_1138, %swap3A_1139] {strides = array<i32>} : memref<200x128xf32, #tpu.memory_space<vmem>>, vector<1x16xf32>,
      %swap3A_1141 = vector.shape_cast %swap3A_1140 : vector<1x16xf32> to vector<16xf32>
      %swap3A_1142 = vector.shape_cast %get3A_11 : vector<16xf32> to vector<1x16xf32>
      tpu.vector_store %arg4[%swap3A_1138, %swap3A_1139], %swap3A_1142 {strides = array<i32>} : memref<200x128xf32, #tpu.memory_space<vmem>>, vector<1x16xf32>,
      %swap3A_1143 = arith.index_cast %scan3A_1132 : i32 to index
      %swap3A_1144 = arith.constant 32 : index
      %swap3A_1145 = tpu.vector_load %arg4[%swap3A_1143, %swap3A_1144] {strides = array<i32>} : memref<200x128xf32, #tpu.memory_space<vmem>>, vector<1x16xf32>,
      %swap3A_1146 = vector.shape_cast %swap3A_1145 : vector<1x16xf32> to vector<16xf32>
      %swap3A_1147 = vector.shape_cast %get3A_16 : vector<16xf32> to vector<1x16xf32>
      tpu.vector_store %arg4[%swap3A_1143, %swap3A_1144], %swap3A_1147 {strides = array<i32>} : memref<200x128xf32, #tpu.memory_space<vmem>>, vector<1x16xf32>,
      %swap3A_1148 = arith.index_cast %scan3A_1132 : i32 to index
      %swap3A_1149 = arith.constant 48 : index
      %swap3A_1150 = tpu.vector_load %arg4[%swap3A_1148, %swap3A_1149] {strides = array<i32>} : memref<200x128xf32, #tpu.memory_space<vmem>>, vector<1x16xf32>,
      %swap3A_1151 = vector.shape_cast %swap3A_1150 : vector<1x16xf32> to vector<16xf32>
      %swap3A_1152 = vector.shape_cast %get3A_21 : vector<16xf32> to vector<1x16xf32>
      tpu.vector_store %arg4[%swap3A_1148, %swap3A_1149], %swap3A_1152 {strides = array<i32>} : memref<200x128xf32, #tpu.memory_space<vmem>>, vector<1x16xf32>,
      %swap3A_1153 = arith.index_cast %scan3A_1132 : i32 to index
      %swap3A_1154 = arith.constant 64 : index
      %swap3A_1155 = tpu.vector_load %arg4[%swap3A_1153, %swap3A_1154] {strides = array<i32>} : memref<200x128xf32, #tpu.memory_space<vmem>>, vector<1x16xf32>,
      %swap3A_1156 = vector.shape_cast %swap3A_1155 : vector<1x16xf32> to vector<16xf32>
      %swap3A_1157 = vector.shape_cast %get3A_26 : vector<16xf32> to vector<1x16xf32>
      tpu.vector_store %arg4[%swap3A_1153, %swap3A_1154], %swap3A_1157 {strides = array<i32>} : memref<200x128xf32, #tpu.memory_space<vmem>>, vector<1x16xf32>,
      %swap3A_1158 = arith.index_cast %scan3A_1132 : i32 to index
      %swap3A_1159 = arith.constant 80 : index
      %swap3A_1160 = tpu.vector_load %arg4[%swap3A_1158, %swap3A_1159] {strides = array<i32>} : memref<200x128xf32, #tpu.memory_space<vmem>>, vector<1x16xf32>,
      %swap3A_1161 = vector.shape_cast %swap3A_1160 : vector<1x16xf32> to vector<16xf32>
      %swap3A_1162 = vector.shape_cast %get3A_31 : vector<16xf32> to vector<1x16xf32>
      tpu.vector_store %arg4[%swap3A_1158, %swap3A_1159], %swap3A_1162 {strides = array<i32>} : memref<200x128xf32, #tpu.memory_space<vmem>>, vector<1x16xf32>,
      %swap3A_1163 = arith.index_cast %scan3A_1132 : i32 to index
      %swap3A_1164 = arith.constant 96 : index
      %swap3A_1165 = tpu.vector_load %arg4[%swap3A_1163, %swap3A_1164] {strides = array<i32>} : memref<200x128xf32, #tpu.memory_space<vmem>>, vector<1x16xf32>,
      %swap3A_1166 = vector.shape_cast %swap3A_1165 : vector<1x16xf32> to vector<16xf32>
      %swap3A_1167 = vector.shape_cast %get3A_36 : vector<16xf32> to vector<1x16xf32>
      tpu.vector_store %arg4[%swap3A_1163, %swap3A_1164], %swap3A_1167 {strides = array<i32>} : memref<200x128xf32, #tpu.memory_space<vmem>>, vector<1x16xf32>,
      %swap3A_1168 = arith.index_cast %scan3A_1132 : i32 to index
      %swap3A_1169 = arith.constant 112 : index
      %swap3A_1170 = tpu.vector_load %arg4[%swap3A_1168, %swap3A_1169] {strides = array<i32>} : memref<200x128xf32, #tpu.memory_space<vmem>>, vector<1x16xf32>,
      %swap3A_1171 = vector.shape_cast %swap3A_1170 : vector<1x16xf32> to vector<16xf32>
      %swap3A_1172 = vector.shape_cast %get3A_41 : vector<16xf32> to vector<1x16xf32>
      tpu.vector_store %arg4[%swap3A_1168, %swap3A_1169], %swap3A_1172 {strides = array<i32>} : memref<200x128xf32, #tpu.memory_space<vmem>>, vector<1x16xf32>,
    }
    %scan3A_46 = arith.constant 192 : i32
    %scan3A_47 = arith.addi %scan3A_42, %scan3A_46 : i32
    %swap3A = arith.index_cast %scan3A_47 : i32 to index
    %swap3A_48 = arith.constant 0 : index
    %swap3A_49 = tpu.vector_load %arg4[%swap3A, %swap3A_48] {strides = array<i32>} : memref<200x128xf32, #tpu.memory_space<vmem>>, vector<1x16xf32>,
    %swap3A_50 = vector.shape_cast %swap3A_49 : vector<1x16xf32> to vector<16xf32>
    %swap3A_51 = vector.shape_cast %get3A_6 : vector<16xf32> to vector<1x16xf32>
    tpu.vector_store %arg4[%swap3A, %swap3A_48], %swap3A_51 {strides = array<i32>} : memref<200x128xf32, #tpu.memory_space<vmem>>, vector<1x16xf32>,
    %swap3A_52 = arith.index_cast %scan3A_47 : i32 to index
    %swap3A_53 = arith.constant 16 : index
    %swap3A_54 = tpu.vector_load %arg4[%swap3A_52, %swap3A_53] {strides = array<i32>} : memref<200x128xf32, #tpu.memory_space<vmem>>, vector<1x16xf32>,
    %swap3A_55 = vector.shape_cast %swap3A_54 : vector<1x16xf32> to vector<16xf32>
    %swap3A_56 = vector.shape_cast %get3A_11 : vector<16xf32> to vector<1x16xf32>
    tpu.vector_store %arg4[%swap3A_52, %swap3A_53], %swap3A_56 {strides = array<i32>} : memref<200x128xf32, #tpu.memory_space<vmem>>, vector<1x16xf32>,
    %swap3A_57 = arith.index_cast %scan3A_47 : i32 to index
    %swap3A_58 = arith.constant 32 : index
    %swap3A_59 = tpu.vector_load %arg4[%swap3A_57, %swap3A_58] {strides = array<i32>} : memref<200x128xf32, #tpu.memory_space<vmem>>, vector<1x16xf32>,
    %swap3A_60 = vector.shape_cast %swap3A_59 : vector<1x16xf32> to vector<16xf32>
    %swap3A_61 = vector.shape_cast %get3A_16 : vector<16xf32> to vector<1x16xf32>
    tpu.vector_store %arg4[%swap3A_57, %swap3A_58], %swap3A_61 {strides = array<i32>} : memref<200x128xf32, #tpu.memory_space<vmem>>, vector<1x16xf32>,
    %swap3A_62 = arith.index_cast %scan3A_47 : i32 to index
    %swap3A_63 = arith.constant 48 : index
    %swap3A_64 = tpu.vector_load %arg4[%swap3A_62, %swap3A_63] {strides = array<i32>} : memref<200x128xf32, #tpu.memory_space<vmem>>, vector<1x16xf32>,
    %swap3A_65 = vector.shape_cast %swap3A_64 : vector<1x16xf32> to vector<16xf32>
    %swap3A_66 = vector.shape_cast %get3A_21 : vector<16xf32> to vector<1x16xf32>
    tpu.vector_store %arg4[%swap3A_62, %swap3A_63], %swap3A_66 {strides = array<i32>} : memref<200x128xf32, #tpu.memory_space<vmem>>, vector<1x16xf32>,
    %swap3A_67 = arith.index_cast %scan3A_47 : i32 to index
    %swap3A_68 = arith.constant 64 : index
    %swap3A_69 = tpu.vector_load %arg4[%swap3A_67, %swap3A_68] {strides = array<i32>} : memref<200x128xf32, #tpu.memory_space<vmem>>, vector<1x16xf32>,
    %swap3A_70 = vector.shape_cast %swap3A_69 : vector<1x16xf32> to vector<16xf32>
    %swap3A_71 = vector.shape_cast %get3A_26 : vector<16xf32> to vector<1x16xf32>
    tpu.vector_store %arg4[%swap3A_67, %swap3A_68], %swap3A_71 {strides = array<i32>} : memref<200x128xf32, #tpu.memory_space<vmem>>, vector<1x16xf32>,
    %swap3A_72 = arith.index_cast %scan3A_47 : i32 to index
    %swap3A_73 = arith.constant 80 : index
    %swap3A_74 = tpu.vector_load %arg4[%swap3A_72, %swap3A_73] {strides = array<i32>} : memref<200x128xf32, #tpu.memory_space<vmem>>, vector<1x16xf32>,
    %swap3A_75 = vector.shape_cast %swap3A_74 : vector<1x16xf32> to vector<16xf32>
    %swap3A_76 = vector.shape_cast %get3A_31 : vector<16xf32> to vector<1x16xf32>
    tpu.vector_store %arg4[%swap3A_72, %swap3A_73], %swap3A_76 {strides = array<i32>} : memref<200x128xf32, #tpu.memory_space<vmem>>, vector<1x16xf32>,
    %swap3A_77 = arith.index_cast %scan3A_47 : i32 to index
    %swap3A_78 = arith.constant 96 : index
    %swap3A_79 = tpu.vector_load %arg4[%swap3A_77, %swap3A_78] {strides = array<i32>} : memref<200x128xf32, #tpu.memory_space<vmem>>, vector<1x16xf32>,
    %swap3A_80 = vector.shape_cast %swap3A_79 : vector<1x16xf32> to vector<16xf32>
    %swap3A_81 = vector.shape_cast %get3A_36 : vector<16xf32> to vector<1x16xf32>
    tpu.vector_store %arg4[%swap3A_77, %swap3A_78], %swap3A_81 {strides = array<i32>} : memref<200x128xf32, #tpu.memory_space<vmem>>, vector<1x16xf32>,
    %swap3A_82 = arith.index_cast %scan3A_47 : i32 to index
    %swap3A_83 = arith.constant 112 : index
    %swap3A_84 = tpu.vector_load %arg4[%swap3A_82, %swap3A_83] {strides = array<i32>} : memref<200x128xf32, #tpu.memory_space<vmem>>, vector<1x16xf32>,
    %swap3A_85 = vector.shape_cast %swap3A_84 : vector<1x16xf32> to vector<16xf32>
    %swap3A_86 = vector.shape_cast %get3A_41 : vector<16xf32> to vector<1x16xf32>
    tpu.vector_store %arg4[%swap3A_82, %swap3A_83], %swap3A_86 {strides = array<i32>} : memref<200x128xf32, #tpu.memory_space<vmem>>, vector<1x16xf32>,
    %scan3A_87 = arith.constant 193 : i32
    %scan3A_88 = arith.addi %scan3A_42, %scan3A_87 : i32
    %swap3A_89 = arith.index_cast %scan3A_88 : i32 to index
    %swap3A_90 = arith.constant 0 : index
    %swap3A_91 = tpu.vector_load %arg4[%swap3A_89, %swap3A_90] {strides = array<i32>} : memref<200x128xf32, #tpu.memory_space<vmem>>, vector<1x16xf32>,
    %swap3A_92 = vector.shape_cast %swap3A_91 : vector<1x16xf32> to vector<16xf32>
    %swap3A_93 = vector.shape_cast %get3A_6 : vector<16xf32> to vector<1x16xf32>
    tpu.vector_store %arg4[%swap3A_89, %swap3A_90], %swap3A_93 {strides = array<i32>} : memref<200x128xf32, #tpu.memory_space<vmem>>, vector<1x16xf32>,
    %swap3A_94 = arith.index_cast %scan3A_88 : i32 to index
    %swap3A_95 = arith.constant 16 : index
    %swap3A_96 = tpu.vector_load %arg4[%swap3A_94, %swap3A_95] {strides = array<i32>} : memref<200x128xf32, #tpu.memory_space<vmem>>, vector<1x16xf32>,
    %swap3A_97 = vector.shape_cast %swap3A_96 : vector<1x16xf32> to vector<16xf32>
    %swap3A_98 = vector.shape_cast %get3A_11 : vector<16xf32> to vector<1x16xf32>
    tpu.vector_store %arg4[%swap3A_94, %swap3A_95], %swap3A_98 {strides = array<i32>} : memref<200x128xf32, #tpu.memory_space<vmem>>, vector<1x16xf32>,
    %swap3A_99 = arith.index_cast %scan3A_88 : i32 to index
    %swap3A_100 = arith.constant 32 : index
    %swap3A_101 = tpu.vector_load %arg4[%swap3A_99, %swap3A_100] {strides = array<i32>} : memref<200x128xf32, #tpu.memory_space<vmem>>, vector<1x16xf32>,
    %swap3A_102 = vector.shape_cast %swap3A_101 : vector<1x16xf32> to vector<16xf32>
    %swap3A_103 = vector.shape_cast %get3A_16 : vector<16xf32> to vector<1x16xf32>
    tpu.vector_store %arg4[%swap3A_99, %swap3A_100], %swap3A_103 {strides = array<i32>} : memref<200x128xf32, #tpu.memory_space<vmem>>, vector<1x16xf32>,
    %swap3A_104 = arith.index_cast %scan3A_88 : i32 to index
    %swap3A_105 = arith.constant 48 : index
    %swap3A_106 = tpu.vector_load %arg4[%swap3A_104, %swap3A_105] {strides = array<i32>} : memref<200x128xf32, #tpu.memory_space<vmem>>, vector<1x16xf32>,
    %swap3A_107 = vector.shape_cast %swap3A_106 : vector<1x16xf32> to vector<16xf32>
    %swap3A_108 = vector.shape_cast %get3A_21 : vector<16xf32> to vector<1x16xf32>
    tpu.vector_store %arg4[%swap3A_104, %swap3A_105], %swap3A_108 {strides = array<i32>} : memref<200x128xf32, #tpu.memory_space<vmem>>, vector<1x16xf32>,
    %swap3A_109 = arith.index_cast %scan3A_88 : i32 to index
    %swap3A_110 = arith.constant 64 : index
    %swap3A_111 = tpu.vector_load %arg4[%swap3A_109, %swap3A_110] {strides = array<i32>} : memref<200x128xf32, #tpu.memory_space<vmem>>, vector<1x16xf32>,
    %swap3A_112 = vector.shape_cast %swap3A_111 : vector<1x16xf32> to vector<16xf32>
    %swap3A_113 = vector.shape_cast %get3A_26 : vector<16xf32> to vector<1x16xf32>
    tpu.vector_store %arg4[%swap3A_109, %swap3A_110], %swap3A_113 {strides = array<i32>} : memref<200x128xf32, #tpu.memory_space<vmem>>, vector<1x16xf32>,
    %swap3A_114 = arith.index_cast %scan3A_88 : i32 to index
    %swap3A_115 = arith.constant 80 : index
    %swap3A_116 = tpu.vector_load %arg4[%swap3A_114, %swap3A_115] {strides = array<i32>} : memref<200x128xf32, #tpu.memory_space<vmem>>, vector<1x16xf32>,
    %swap3A_117 = vector.shape_cast %swap3A_116 : vector<1x16xf32> to vector<16xf32>
    %swap3A_118 = vector.shape_cast %get3A_31 : vector<16xf32> to vector<1x16xf32>
    tpu.vector_store %arg4[%swap3A_114, %swap3A_115], %swap3A_118 {strides = array<i32>} : memref<200x128xf32, #tpu.memory_space<vmem>>, vector<1x16xf32>,
    %swap3A_119 = arith.index_cast %scan3A_88 : i32 to index
    %swap3A_120 = arith.constant 96 : index
    %swap3A_121 = tpu.vector_load %arg4[%swap3A_119, %swap3A_120] {strides = array<i32>} : memref<200x128xf32, #tpu.memory_space<vmem>>, vector<1x16xf32>,
    %swap3A_122 = vector.shape_cast %swap3A_121 : vector<1x16xf32> to vector<16xf32>
    %swap3A_123 = vector.shape_cast %get3A_36 : vector<16xf32> to vector<1x16xf32>
    tpu.vector_store %arg4[%swap3A_119, %swap3A_120], %swap3A_123 {strides = array<i32>} : memref<200x128xf32, #tpu.memory_space<vmem>>, vector<1x16xf32>,
    %swap3A_124 = arith.index_cast %scan3A_88 : i32 to index
    %swap3A_125 = arith.constant 112 : index
    %swap3A_126 = tpu.vector_load %arg4[%swap3A_124, %swap3A_125] {strides = array<i32>} : memref<200x128xf32, #tpu.memory_space<vmem>>, vector<1x16xf32>,
    %swap3A_127 = vector.shape_cast %swap3A_126 : vector<1x16xf32> to vector<16xf32>
    %swap3A_128 = vector.shape_cast %get3A_41 : vector<16xf32> to vector<1x16xf32>
    tpu.vector_store %arg4[%swap3A_124, %swap3A_125], %swap3A_128 {strides = array<i32>} : memref<200x128xf32, #tpu.memory_space<vmem>>, vector<1x16xf32>,
    %scan3A_129 = arith.constant 194 : i32
    %scan3A_130 = arith.addi %scan3A_42, %scan3A_129 : i32
    %swap3A_131 = arith.index_cast %scan3A_130 : i32 to index
    %swap3A_132 = arith.constant 0 : index
    %swap3A_133 = tpu.vector_load %arg4[%swap3A_131, %swap3A_132] {strides = array<i32>} : memref<200x128xf32, #tpu.memory_space<vmem>>, vector<1x16xf32>,
    %swap3A_134 = vector.shape_cast %swap3A_133 : vector<1x16xf32> to vector<16xf32>
    %swap3A_135 = vector.shape_cast %get3A_6 : vector<16xf32> to vector<1x16xf32>
    tpu.vector_store %arg4[%swap3A_131, %swap3A_132], %swap3A_135 {strides = array<i32>} : memref<200x128xf32, #tpu.memory_space<vmem>>, vector<1x16xf32>,
    %swap3A_136 = arith.index_cast %scan3A_130 : i32 to index
    %swap3A_137 = arith.constant 16 : index
    %swap3A_138 = tpu.vector_load %arg4[%swap3A_136, %swap3A_137] {strides = array<i32>} : memref<200x128xf32, #tpu.memory_space<vmem>>, vector<1x16xf32>,
    %swap3A_139 = vector.shape_cast %swap3A_138 : vector<1x16xf32> to vector<16xf32>
    %swap3A_140 = vector.shape_cast %get3A_11 : vector<16xf32> to vector<1x16xf32>
    tpu.vector_store %arg4[%swap3A_136, %swap3A_137], %swap3A_140 {strides = array<i32>} : memref<200x128xf32, #tpu.memory_space<vmem>>, vector<1x16xf32>,
    %swap3A_141 = arith.index_cast %scan3A_130 : i32 to index
    %swap3A_142 = arith.constant 32 : index
    %swap3A_143 = tpu.vector_load %arg4[%swap3A_141, %swap3A_142] {strides = array<i32>} : memref<200x128xf32, #tpu.memory_space<vmem>>, vector<1x16xf32>,
    %swap3A_144 = vector.shape_cast %swap3A_143 : vector<1x16xf32> to vector<16xf32>
    %swap3A_145 = vector.shape_cast %get3A_16 : vector<16xf32> to vector<1x16xf32>
    tpu.vector_store %arg4[%swap3A_141, %swap3A_142], %swap3A_145 {strides = array<i32>} : memref<200x128xf32, #tpu.memory_space<vmem>>, vector<1x16xf32>,
    %swap3A_146 = arith.index_cast %scan3A_130 : i32 to index
    %swap3A_147 = arith.constant 48 : index
    %swap3A_148 = tpu.vector_load %arg4[%swap3A_146, %swap3A_147] {strides = array<i32>} : memref<200x128xf32, #tpu.memory_space<vmem>>, vector<1x16xf32>,
    %swap3A_149 = vector.shape_cast %swap3A_148 : vector<1x16xf32> to vector<16xf32>
    %swap3A_150 = vector.shape_cast %get3A_21 : vector<16xf32> to vector<1x16xf32>
    tpu.vector_store %arg4[%swap3A_146, %swap3A_147], %swap3A_150 {strides = array<i32>} : memref<200x128xf32, #tpu.memory_space<vmem>>, vector<1x16xf32>,
    %swap3A_151 = arith.index_cast %scan3A_130 : i32 to index
    %swap3A_152 = arith.constant 64 : index
    %swap3A_153 = tpu.vector_load %arg4[%swap3A_151, %swap3A_152] {strides = array<i32>} : memref<200x128xf32, #tpu.memory_space<vmem>>, vector<1x16xf32>,
    %swap3A_154 = vector.shape_cast %swap3A_153 : vector<1x16xf32> to vector<16xf32>
    %swap3A_155 = vector.shape_cast %get3A_26 : vector<16xf32> to vector<1x16xf32>
    tpu.vector_store %arg4[%swap3A_151, %swap3A_152], %swap3A_155 {strides = array<i32>} : memref<200x128xf32, #tpu.memory_space<vmem>>, vector<1x16xf32>,
    %swap3A_156 = arith.index_cast %scan3A_130 : i32 to index
    %swap3A_157 = arith.constant 80 : index
    %swap3A_158 = tpu.vector_load %arg4[%swap3A_156, %swap3A_157] {strides = array<i32>} : memref<200x128xf32, #tpu.memory_space<vmem>>, vector<1x16xf32>,
    %swap3A_159 = vector.shape_cast %swap3A_158 : vector<1x16xf32> to vector<16xf32>
    %swap3A_160 = vector.shape_cast %get3A_31 : vector<16xf32> to vector<1x16xf32>
    tpu.vector_store %arg4[%swap3A_156, %swap3A_157], %swap3A_160 {strides = array<i32>} : memref<200x128xf32, #tpu.memory_space<vmem>>, vector<1x16xf32>,
    %swap3A_161 = arith.index_cast %scan3A_130 : i32 to index
    %swap3A_162 = arith.constant 96 : index
    %swap3A_163 = tpu.vector_load %arg4[%swap3A_161, %swap3A_162] {strides = array<i32>} : memref<200x128xf32, #tpu.memory_space<vmem>>, vector<1x16xf32>,
    %swap3A_164 = vector.shape_cast %swap3A_163 : vector<1x16xf32> to vector<16xf32>
    %swap3A_165 = vector.shape_cast %get3A_36 : vector<16xf32> to vector<1x16xf32>
    tpu.vector_store %arg4[%swap3A_161, %swap3A_162], %swap3A_165 {strides = array<i32>} : memref<200x128xf32, #tpu.memory_space<vmem>>, vector<1x16xf32>,
    %swap3A_166 = arith.index_cast %scan3A_130 : i32 to index
    %swap3A_167 = arith.constant 112 : index
    %swap3A_168 = tpu.vector_load %arg4[%swap3A_166, %swap3A_167] {strides = array<i32>} : memref<200x128xf32, #tpu.memory_space<vmem>>, vector<1x16xf32>,
    %swap3A_169 = vector.shape_cast %swap3A_168 : vector<1x16xf32> to vector<16xf32>
    %swap3A_170 = vector.shape_cast %get3A_41 : vector<16xf32> to vector<1x16xf32>
    tpu.vector_store %arg4[%swap3A_166, %swap3A_167], %swap3A_170 {strides = array<i32>} : memref<200x128xf32, #tpu.memory_space<vmem>>, vector<1x16xf32>,
    %scan3A_171 = arith.constant 195 : i32
    %scan3A_172 = arith.addi %scan3A_42, %scan3A_171 : i32
    %swap3A_173 = arith.index_cast %scan3A_172 : i32 to index
    %swap3A_174 = arith.constant 0 : index
    %swap3A_175 = tpu.vector_load %arg4[%swap3A_173, %swap3A_174] {strides = array<i32>} : memref<200x128xf32, #tpu.memory_space<vmem>>, vector<1x16xf32>,
    %swap3A_176 = vector.shape_cast %swap3A_175 : vector<1x16xf32> to vector<16xf32>
    %swap3A_177 = vector.shape_cast %get3A_6 : vector<16xf32> to vector<1x16xf32>
    tpu.vector_store %arg4[%swap3A_173, %swap3A_174], %swap3A_177 {strides = array<i32>} : memref<200x128xf32, #tpu.memory_space<vmem>>, vector<1x16xf32>,
    %swap3A_178 = arith.index_cast %scan3A_172 : i32 to index
    %swap3A_179 = arith.constant 16 : index
    %swap3A_180 = tpu.vector_load %arg4[%swap3A_178, %swap3A_179] {strides = array<i32>} : memref<200x128xf32, #tpu.memory_space<vmem>>, vector<1x16xf32>,
    %swap3A_181 = vector.shape_cast %swap3A_180 : vector<1x16xf32> to vector<16xf32>
    %swap3A_182 = vector.shape_cast %get3A_11 : vector<16xf32> to vector<1x16xf32>
    tpu.vector_store %arg4[%swap3A_178, %swap3A_179], %swap3A_182 {strides = array<i32>} : memref<200x128xf32, #tpu.memory_space<vmem>>, vector<1x16xf32>,
    %swap3A_183 = arith.index_cast %scan3A_172 : i32 to index
    %swap3A_184 = arith.constant 32 : index
    %swap3A_185 = tpu.vector_load %arg4[%swap3A_183, %swap3A_184] {strides = array<i32>} : memref<200x128xf32, #tpu.memory_space<vmem>>, vector<1x16xf32>,
    %swap3A_186 = vector.shape_cast %swap3A_185 : vector<1x16xf32> to vector<16xf32>
    %swap3A_187 = vector.shape_cast %get3A_16 : vector<16xf32> to vector<1x16xf32>
    tpu.vector_store %arg4[%swap3A_183, %swap3A_184], %swap3A_187 {strides = array<i32>} : memref<200x128xf32, #tpu.memory_space<vmem>>, vector<1x16xf32>,
    %swap3A_188 = arith.index_cast %scan3A_172 : i32 to index
    %swap3A_189 = arith.constant 48 : index
    %swap3A_190 = tpu.vector_load %arg4[%swap3A_188, %swap3A_189] {strides = array<i32>} : memref<200x128xf32, #tpu.memory_space<vmem>>, vector<1x16xf32>,
    %swap3A_191 = vector.shape_cast %swap3A_190 : vector<1x16xf32> to vector<16xf32>
    %swap3A_192 = vector.shape_cast %get3A_21 : vector<16xf32> to vector<1x16xf32>
    tpu.vector_store %arg4[%swap3A_188, %swap3A_189], %swap3A_192 {strides = array<i32>} : memref<200x128xf32, #tpu.memory_space<vmem>>, vector<1x16xf32>,
    %swap3A_193 = arith.index_cast %scan3A_172 : i32 to index
    %swap3A_194 = arith.constant 64 : index
    %swap3A_195 = tpu.vector_load %arg4[%swap3A_193, %swap3A_194] {strides = array<i32>} : memref<200x128xf32, #tpu.memory_space<vmem>>, vector<1x16xf32>,
    %swap3A_196 = vector.shape_cast %swap3A_195 : vector<1x16xf32> to vector<16xf32>
    %swap3A_197 = vector.shape_cast %get3A_26 : vector<16xf32> to vector<1x16xf32>
    tpu.vector_store %arg4[%swap3A_193, %swap3A_194], %swap3A_197 {strides = array<i32>} : memref<200x128xf32, #tpu.memory_space<vmem>>, vector<1x16xf32>,
    %swap3A_198 = arith.index_cast %scan3A_172 : i32 to index
    %swap3A_199 = arith.constant 80 : index
    %swap3A_200 = tpu.vector_load %arg4[%swap3A_198, %swap3A_199] {strides = array<i32>} : memref<200x128xf32, #tpu.memory_space<vmem>>, vector<1x16xf32>,
    %swap3A_201 = vector.shape_cast %swap3A_200 : vector<1x16xf32> to vector<16xf32>
    %swap3A_202 = vector.shape_cast %get3A_31 : vector<16xf32> to vector<1x16xf32>
    tpu.vector_store %arg4[%swap3A_198, %swap3A_199], %swap3A_202 {strides = array<i32>} : memref<200x128xf32, #tpu.memory_space<vmem>>, vector<1x16xf32>,
    %swap3A_203 = arith.index_cast %scan3A_172 : i32 to index
    %swap3A_204 = arith.constant 96 : index
    %swap3A_205 = tpu.vector_load %arg4[%swap3A_203, %swap3A_204] {strides = array<i32>} : memref<200x128xf32, #tpu.memory_space<vmem>>, vector<1x16xf32>,
    %swap3A_206 = vector.shape_cast %swap3A_205 : vector<1x16xf32> to vector<16xf32>
    %swap3A_207 = vector.shape_cast %get3A_36 : vector<16xf32> to vector<1x16xf32>
    tpu.vector_store %arg4[%swap3A_203, %swap3A_204], %swap3A_207 {strides = array<i32>} : memref<200x128xf32, #tpu.memory_space<vmem>>, vector<1x16xf32>,
    %swap3A_208 = arith.index_cast %scan3A_172 : i32 to index
    %swap3A_209 = arith.constant 112 : index
    %swap3A_210 = tpu.vector_load %arg4[%swap3A_208, %swap3A_209] {strides = array<i32>} : memref<200x128xf32, #tpu.memory_space<vmem>>, vector<1x16xf32>,
    %swap3A_211 = vector.shape_cast %swap3A_210 : vector<1x16xf32> to vector<16xf32>
    %swap3A_212 = vector.shape_cast %get3A_41 : vector<16xf32> to vector<1x16xf32>
    tpu.vector_store %arg4[%swap3A_208, %swap3A_209], %swap3A_212 {strides = array<i32>} : memref<200x128xf32, #tpu.memory_space<vmem>>, vector<1x16xf32>,
    %scan3A_213 = arith.constant 196 : i32
    %scan3A_214 = arith.addi %scan3A_42, %scan3A_213 : i32
    %swap3A_215 = arith.index_cast %scan3A_214 : i32 to index
    %swap3A_216 = arith.constant 0 : index
    %swap3A_217 = tpu.vector_load %arg4[%swap3A_215, %swap3A_216] {strides = array<i32>} : memref<200x128xf32, #tpu.memory_space<vmem>>, vector<1x16xf32>,
    %swap3A_218 = vector.shape_cast %swap3A_217 : vector<1x16xf32> to vector<16xf32>
    %swap3A_219 = vector.shape_cast %get3A_6 : vector<16xf32> to vector<1x16xf32>
    tpu.vector_store %arg4[%swap3A_215, %swap3A_216], %swap3A_219 {strides = array<i32>} : memref<200x128xf32, #tpu.memory_space<vmem>>, vector<1x16xf32>,
    %swap3A_220 = arith.index_cast %scan3A_214 : i32 to index
    %swap3A_221 = arith.constant 16 : index
    %swap3A_222 = tpu.vector_load %arg4[%swap3A_220, %swap3A_221] {strides = array<i32>} : memref<200x128xf32, #tpu.memory_space<vmem>>, vector<1x16xf32>,
    %swap3A_223 = vector.shape_cast %swap3A_222 : vector<1x16xf32> to vector<16xf32>
    %swap3A_224 = vector.shape_cast %get3A_11 : vector<16xf32> to vector<1x16xf32>
    tpu.vector_store %arg4[%swap3A_220, %swap3A_221], %swap3A_224 {strides = array<i32>} : memref<200x128xf32, #tpu.memory_space<vmem>>, vector<1x16xf32>,
    %swap3A_225 = arith.index_cast %scan3A_214 : i32 to index
    %swap3A_226 = arith.constant 32 : index
    %swap3A_227 = tpu.vector_load %arg4[%swap3A_225, %swap3A_226] {strides = array<i32>} : memref<200x128xf32, #tpu.memory_space<vmem>>, vector<1x16xf32>,
    %swap3A_228 = vector.shape_cast %swap3A_227 : vector<1x16xf32> to vector<16xf32>
    %swap3A_229 = vector.shape_cast %get3A_16 : vector<16xf32> to vector<1x16xf32>
    tpu.vector_store %arg4[%swap3A_225, %swap3A_226], %swap3A_229 {strides = array<i32>} : memref<200x128xf32, #tpu.memory_space<vmem>>, vector<1x16xf32>,
    %swap3A_230 = arith.index_cast %scan3A_214 : i32 to index
    %swap3A_231 = arith.constant 48 : index
    %swap3A_232 = tpu.vector_load %arg4[%swap3A_230, %swap3A_231] {strides = array<i32>} : memref<200x128xf32, #tpu.memory_space<vmem>>, vector<1x16xf32>,
    %swap3A_233 = vector.shape_cast %swap3A_232 : vector<1x16xf32> to vector<16xf32>
    %swap3A_234 = vector.shape_cast %get3A_21 : vector<16xf32> to vector<1x16xf32>
    tpu.vector_store %arg4[%swap3A_230, %swap3A_231], %swap3A_234 {strides = array<i32>} : memref<200x128xf32, #tpu.memory_space<vmem>>, vector<1x16xf32>,
    %swap3A_235 = arith.index_cast %scan3A_214 : i32 to index
    %swap3A_236 = arith.constant 64 : index
    %swap3A_237 = tpu.vector_load %arg4[%swap3A_235, %swap3A_236] {strides = array<i32>} : memref<200x128xf32, #tpu.memory_space<vmem>>, vector<1x16xf32>,
    %swap3A_238 = vector.shape_cast %swap3A_237 : vector<1x16xf32> to vector<16xf32>
    %swap3A_239 = vector.shape_cast %get3A_26 : vector<16xf32> to vector<1x16xf32>
    tpu.vector_store %arg4[%swap3A_235, %swap3A_236], %swap3A_239 {strides = array<i32>} : memref<200x128xf32, #tpu.memory_space<vmem>>, vector<1x16xf32>,
    %swap3A_240 = arith.index_cast %scan3A_214 : i32 to index
    %swap3A_241 = arith.constant 80 : index
    %swap3A_242 = tpu.vector_load %arg4[%swap3A_240, %swap3A_241] {strides = array<i32>} : memref<200x128xf32, #tpu.memory_space<vmem>>, vector<1x16xf32>,
    %swap3A_243 = vector.shape_cast %swap3A_242 : vector<1x16xf32> to vector<16xf32>
    %swap3A_244 = vector.shape_cast %get3A_31 : vector<16xf32> to vector<1x16xf32>
    tpu.vector_store %arg4[%swap3A_240, %swap3A_241], %swap3A_244 {strides = array<i32>} : memref<200x128xf32, #tpu.memory_space<vmem>>, vector<1x16xf32>,
    %swap3A_245 = arith.index_cast %scan3A_214 : i32 to index
    %swap3A_246 = arith.constant 96 : index
    %swap3A_247 = tpu.vector_load %arg4[%swap3A_245, %swap3A_246] {strides = array<i32>} : memref<200x128xf32, #tpu.memory_space<vmem>>, vector<1x16xf32>,
    %swap3A_248 = vector.shape_cast %swap3A_247 : vector<1x16xf32> to vector<16xf32>
    %swap3A_249 = vector.shape_cast %get3A_36 : vector<16xf32> to vector<1x16xf32>
    tpu.vector_store %arg4[%swap3A_245, %swap3A_246], %swap3A_249 {strides = array<i32>} : memref<200x128xf32, #tpu.memory_space<vmem>>, vector<1x16xf32>,
    %swap3A_250 = arith.index_cast %scan3A_214 : i32 to index
    %swap3A_251 = arith.constant 112 : index
    %swap3A_252 = tpu.vector_load %arg4[%swap3A_250, %swap3A_251] {strides = array<i32>} : memref<200x128xf32, #tpu.memory_space<vmem>>, vector<1x16xf32>,
    %swap3A_253 = vector.shape_cast %swap3A_252 : vector<1x16xf32> to vector<16xf32>
    %swap3A_254 = vector.shape_cast %get3A_41 : vector<16xf32> to vector<1x16xf32>
    tpu.vector_store %arg4[%swap3A_250, %swap3A_251], %swap3A_254 {strides = array<i32>} : memref<200x128xf32, #tpu.memory_space<vmem>>, vector<1x16xf32>,
    %scan3A_255 = arith.constant 197 : i32
    %scan3A_256 = arith.addi %scan3A_42, %scan3A_255 : i32
    %swap3A_257 = arith.index_cast %scan3A_256 : i32 to index
    %swap3A_258 = arith.constant 0 : index
    %swap3A_259 = tpu.vector_load %arg4[%swap3A_257, %swap3A_258] {strides = array<i32>} : memref<200x128xf32, #tpu.memory_space<vmem>>, vector<1x16xf32>,
    %swap3A_260 = vector.shape_cast %swap3A_259 : vector<1x16xf32> to vector<16xf32>
    %swap3A_261 = vector.shape_cast %get3A_6 : vector<16xf32> to vector<1x16xf32>
    tpu.vector_store %arg4[%swap3A_257, %swap3A_258], %swap3A_261 {strides = array<i32>} : memref<200x128xf32, #tpu.memory_space<vmem>>, vector<1x16xf32>,
    %swap3A_262 = arith.index_cast %scan3A_256 : i32 to index
    %swap3A_263 = arith.constant 16 : index
    %swap3A_264 = tpu.vector_load %arg4[%swap3A_262, %swap3A_263] {strides = array<i32>} : memref<200x128xf32, #tpu.memory_space<vmem>>, vector<1x16xf32>,
    %swap3A_265 = vector.shape_cast %swap3A_264 : vector<1x16xf32> to vector<16xf32>
    %swap3A_266 = vector.shape_cast %get3A_11 : vector<16xf32> to vector<1x16xf32>
    tpu.vector_store %arg4[%swap3A_262, %swap3A_263], %swap3A_266 {strides = array<i32>} : memref<200x128xf32, #tpu.memory_space<vmem>>, vector<1x16xf32>,
    %swap3A_267 = arith.index_cast %scan3A_256 : i32 to index
    %swap3A_268 = arith.constant 32 : index
    %swap3A_269 = tpu.vector_load %arg4[%swap3A_267, %swap3A_268] {strides = array<i32>} : memref<200x128xf32, #tpu.memory_space<vmem>>, vector<1x16xf32>,
    %swap3A_270 = vector.shape_cast %swap3A_269 : vector<1x16xf32> to vector<16xf32>
    %swap3A_271 = vector.shape_cast %get3A_16 : vector<16xf32> to vector<1x16xf32>
    tpu.vector_store %arg4[%swap3A_267, %swap3A_268], %swap3A_271 {strides = array<i32>} : memref<200x128xf32, #tpu.memory_space<vmem>>, vector<1x16xf32>,
    %swap3A_272 = arith.index_cast %scan3A_256 : i32 to index
    %swap3A_273 = arith.constant 48 : index
    %swap3A_274 = tpu.vector_load %arg4[%swap3A_272, %swap3A_273] {strides = array<i32>} : memref<200x128xf32, #tpu.memory_space<vmem>>, vector<1x16xf32>,
    %swap3A_275 = vector.shape_cast %swap3A_274 : vector<1x16xf32> to vector<16xf32>
    %swap3A_276 = vector.shape_cast %get3A_21 : vector<16xf32> to vector<1x16xf32>
    tpu.vector_store %arg4[%swap3A_272, %swap3A_273], %swap3A_276 {strides = array<i32>} : memref<200x128xf32, #tpu.memory_space<vmem>>, vector<1x16xf32>,
    %swap3A_277 = arith.index_cast %scan3A_256 : i32 to index
    %swap3A_278 = arith.constant 64 : index
    %swap3A_279 = tpu.vector_load %arg4[%swap3A_277, %swap3A_278] {strides = array<i32>} : memref<200x128xf32, #tpu.memory_space<vmem>>, vector<1x16xf32>,
    %swap3A_280 = vector.shape_cast %swap3A_279 : vector<1x16xf32> to vector<16xf32>
    %swap3A_281 = vector.shape_cast %get3A_26 : vector<16xf32> to vector<1x16xf32>
    tpu.vector_store %arg4[%swap3A_277, %swap3A_278], %swap3A_281 {strides = array<i32>} : memref<200x128xf32, #tpu.memory_space<vmem>>, vector<1x16xf32>,
    %swap3A_282 = arith.index_cast %scan3A_256 : i32 to index
    %swap3A_283 = arith.constant 80 : index
    %swap3A_284 = tpu.vector_load %arg4[%swap3A_282, %swap3A_283] {strides = array<i32>} : memref<200x128xf32, #tpu.memory_space<vmem>>, vector<1x16xf32>,
    %swap3A_285 = vector.shape_cast %swap3A_284 : vector<1x16xf32> to vector<16xf32>
    %swap3A_286 = vector.shape_cast %get3A_31 : vector<16xf32> to vector<1x16xf32>
    tpu.vector_store %arg4[%swap3A_282, %swap3A_283], %swap3A_286 {strides = array<i32>} : memref<200x128xf32, #tpu.memory_space<vmem>>, vector<1x16xf32>,
    %swap3A_287 = arith.index_cast %scan3A_256 : i32 to index
    %swap3A_288 = arith.constant 96 : index
    %swap3A_289 = tpu.vector_load %arg4[%swap3A_287, %swap3A_288] {strides = array<i32>} : memref<200x128xf32, #tpu.memory_space<vmem>>, vector<1x16xf32>,
    %swap3A_290 = vector.shape_cast %swap3A_289 : vector<1x16xf32> to vector<16xf32>
    %swap3A_291 = vector.shape_cast %get3A_36 : vector<16xf32> to vector<1x16xf32>
    tpu.vector_store %arg4[%swap3A_287, %swap3A_288], %swap3A_291 {strides = array<i32>} : memref<200x128xf32, #tpu.memory_space<vmem>>, vector<1x16xf32>,
    %swap3A_292 = arith.index_cast %scan3A_256 : i32 to index
    %swap3A_293 = arith.constant 112 : index
    %swap3A_294 = tpu.vector_load %arg4[%swap3A_292, %swap3A_293] {strides = array<i32>} : memref<200x128xf32, #tpu.memory_space<vmem>>, vector<1x16xf32>,
    %swap3A_295 = vector.shape_cast %swap3A_294 : vector<1x16xf32> to vector<16xf32>
    %swap3A_296 = vector.shape_cast %get3A_41 : vector<16xf32> to vector<1x16xf32>
    tpu.vector_store %arg4[%swap3A_292, %swap3A_293], %swap3A_296 {strides = array<i32>} : memref<200x128xf32, #tpu.memory_space<vmem>>, vector<1x16xf32>,
    %scan3A_297 = arith.constant 198 : i32
    %scan3A_298 = arith.addi %scan3A_42, %scan3A_297 : i32
    %swap3A_299 = arith.index_cast %scan3A_298 : i32 to index
    %swap3A_300 = arith.constant 0 : index
    %swap3A_301 = tpu.vector_load %arg4[%swap3A_299, %swap3A_300] {strides = array<i32>} : memref<200x128xf32, #tpu.memory_space<vmem>>, vector<1x16xf32>,
    %swap3A_302 = vector.shape_cast %swap3A_301 : vector<1x16xf32> to vector<16xf32>
    %swap3A_303 = vector.shape_cast %get3A_6 : vector<16xf32> to vector<1x16xf32>
    tpu.vector_store %arg4[%swap3A_299, %swap3A_300], %swap3A_303 {strides = array<i32>} : memref<200x128xf32, #tpu.memory_space<vmem>>, vector<1x16xf32>,
    %swap3A_304 = arith.index_cast %scan3A_298 : i32 to index
    %swap3A_305 = arith.constant 16 : index
    %swap3A_306 = tpu.vector_load %arg4[%swap3A_304, %swap3A_305] {strides = array<i32>} : memref<200x128xf32, #tpu.memory_space<vmem>>, vector<1x16xf32>,
    %swap3A_307 = vector.shape_cast %swap3A_306 : vector<1x16xf32> to vector<16xf32>
    %swap3A_308 = vector.shape_cast %get3A_11 : vector<16xf32> to vector<1x16xf32>
    tpu.vector_store %arg4[%swap3A_304, %swap3A_305], %swap3A_308 {strides = array<i32>} : memref<200x128xf32, #tpu.memory_space<vmem>>, vector<1x16xf32>,
    %swap3A_309 = arith.index_cast %scan3A_298 : i32 to index
    %swap3A_310 = arith.constant 32 : index
    %swap3A_311 = tpu.vector_load %arg4[%swap3A_309, %swap3A_310] {strides = array<i32>} : memref<200x128xf32, #tpu.memory_space<vmem>>, vector<1x16xf32>,
    %swap3A_312 = vector.shape_cast %swap3A_311 : vector<1x16xf32> to vector<16xf32>
    %swap3A_313 = vector.shape_cast %get3A_16 : vector<16xf32> to vector<1x16xf32>
    tpu.vector_store %arg4[%swap3A_309, %swap3A_310], %swap3A_313 {strides = array<i32>} : memref<200x128xf32, #tpu.memory_space<vmem>>, vector<1x16xf32>,
    %swap3A_314 = arith.index_cast %scan3A_298 : i32 to index
    %swap3A_315 = arith.constant 48 : index
    %swap3A_316 = tpu.vector_load %arg4[%swap3A_314, %swap3A_315] {strides = array<i32>} : memref<200x128xf32, #tpu.memory_space<vmem>>, vector<1x16xf32>,
    %swap3A_317 = vector.shape_cast %swap3A_316 : vector<1x16xf32> to vector<16xf32>
    %swap3A_318 = vector.shape_cast %get3A_21 : vector<16xf32> to vector<1x16xf32>
    tpu.vector_store %arg4[%swap3A_314, %swap3A_315], %swap3A_318 {strides = array<i32>} : memref<200x128xf32, #tpu.memory_space<vmem>>, vector<1x16xf32>,
    %swap3A_319 = arith.index_cast %scan3A_298 : i32 to index
    %swap3A_320 = arith.constant 64 : index
    %swap3A_321 = tpu.vector_load %arg4[%swap3A_319, %swap3A_320] {strides = array<i32>} : memref<200x128xf32, #tpu.memory_space<vmem>>, vector<1x16xf32>,
    %swap3A_322 = vector.shape_cast %swap3A_321 : vector<1x16xf32> to vector<16xf32>
    %swap3A_323 = vector.shape_cast %get3A_26 : vector<16xf32> to vector<1x16xf32>
    tpu.vector_store %arg4[%swap3A_319, %swap3A_320], %swap3A_323 {strides = array<i32>} : memref<200x128xf32, #tpu.memory_space<vmem>>, vector<1x16xf32>,
    %swap3A_324 = arith.index_cast %scan3A_298 : i32 to index
    %swap3A_325 = arith.constant 80 : index
    %swap3A_326 = tpu.vector_load %arg4[%swap3A_324, %swap3A_325] {strides = array<i32>} : memref<200x128xf32, #tpu.memory_space<vmem>>, vector<1x16xf32>,
    %swap3A_327 = vector.shape_cast %swap3A_326 : vector<1x16xf32> to vector<16xf32>
    %swap3A_328 = vector.shape_cast %get3A_31 : vector<16xf32> to vector<1x16xf32>
    tpu.vector_store %arg4[%swap3A_324, %swap3A_325], %swap3A_328 {strides = array<i32>} : memref<200x128xf32, #tpu.memory_space<vmem>>, vector<1x16xf32>,
    %swap3A_329 = arith.index_cast %scan3A_298 : i32 to index
    %swap3A_330 = arith.constant 96 : index
    %swap3A_331 = tpu.vector_load %arg4[%swap3A_329, %swap3A_330] {strides = array<i32>} : memref<200x128xf32, #tpu.memory_space<vmem>>, vector<1x16xf32>,
    %swap3A_332 = vector.shape_cast %swap3A_331 : vector<1x16xf32> to vector<16xf32>
    %swap3A_333 = vector.shape_cast %get3A_36 : vector<16xf32> to vector<1x16xf32>
    tpu.vector_store %arg4[%swap3A_329, %swap3A_330], %swap3A_333 {strides = array<i32>} : memref<200x128xf32, #tpu.memory_space<vmem>>, vector<1x16xf32>,
    %swap3A_334 = arith.index_cast %scan3A_298 : i32 to index
    %swap3A_335 = arith.constant 112 : index
    %swap3A_336 = tpu.vector_load %arg4[%swap3A_334, %swap3A_335] {strides = array<i32>} : memref<200x128xf32, #tpu.memory_space<vmem>>, vector<1x16xf32>,
    %swap3A_337 = vector.shape_cast %swap3A_336 : vector<1x16xf32> to vector<16xf32>
    %swap3A_338 = vector.shape_cast %get3A_41 : vector<16xf32> to vector<1x16xf32>
    tpu.vector_store %arg4[%swap3A_334, %swap3A_335], %swap3A_338 {strides = array<i32>} : memref<200x128xf32, #tpu.memory_space<vmem>>, vector<1x16xf32>,
    %scan3A_339 = arith.constant 199 : i32
    %add3A_340 = arith.constant 0 : i32
    %add3A_341 = arith.addi %mul3A_2, %add3A_340 : i32
    %dma_start3A = arith.constant 0 : i32
    %dma_start3A_342 = tpu.memref_slice %arg3[%add3A_341, %dma_start3A] : memref<320000x128xf32, #tpu.memory_space<hbm>> -> memref<200x128xf32, #tpu.memory_space<hbm>>
    %dma_start3A_343 = arith.constant 0 : i32
    %dma_start3A_344 = tpu.memref_slice %arg3[%add3A_341, %dma_start3A_343] : memref<320000x128xf32, #tpu.memory_space<hbm>> -> memref<200x128xf32, #tpu.memory_space<hbm>>
    tpu.enqueue_dma source(%arg4 : memref<200x128xf32, #tpu.memory_space<vmem>>) target(%dma_start3A_344 : memref<200x128xf32, #tpu.memory_space<hbm>>) target_semaphore(%arg5 : memref<!tpu.dma_semaphore, #tpu.memory_space<semaphore_mem>>)
    %add3A_345 = arith.constant 200 : i32
    %add3A_346 = arith.addi %mul3A_2, %add3A_345 : i32
    %dma_start3A_347 = arith.constant 0 : i32
    %dma_start3A_348 = tpu.memref_slice %arg3[%add3A_346, %dma_start3A_347] : memref<320000x128xf32, #tpu.memory_space<hbm>> -> memref<200x128xf32, #tpu.memory_space<hbm>>
    %dma_start3A_349 = arith.constant 0 : i32
    %dma_start3A_350 = tpu.memref_slice %arg3[%add3A_346, %dma_start3A_349] : memref<320000x128xf32, #tpu.memory_space<hbm>> -> memref<200x128xf32, #tpu.memory_space<hbm>>
    tpu.enqueue_dma source(%arg4 : memref<200x128xf32, #tpu.memory_space<vmem>>) target(%dma_start3A_350 : memref<200x128xf32, #tpu.memory_space<hbm>>) target_semaphore(%arg5 : memref<!tpu.dma_semaphore, #tpu.memory_space<semaphore_mem>>)
    %add3A_351 = arith.constant 400 : i32
    %add3A_352 = arith.addi %mul3A_2, %add3A_351 : i32
    %dma_start3A_353 = arith.constant 0 : i32
    %dma_start3A_354 = tpu.memref_slice %arg3[%add3A_352, %dma_start3A_353] : memref<320000x128xf32, #tpu.memory_space<hbm>> -> memref<200x128xf32, #tpu.memory_space<hbm>>
    %dma_start3A_355 = arith.constant 0 : i32
    %dma_start3A_356 = tpu.memref_slice %arg3[%add3A_352, %dma_start3A_355] : memref<320000x128xf32, #tpu.memory_space<hbm>> -> memref<200x128xf32, #tpu.memory_space<hbm>>
    tpu.enqueue_dma source(%arg4 : memref<200x128xf32, #tpu.memory_space<vmem>>) target(%dma_start3A_356 : memref<200x128xf32, #tpu.memory_space<hbm>>) target_semaphore(%arg5 : memref<!tpu.dma_semaphore, #tpu.memory_space<semaphore_mem>>)
    %add3A_357 = arith.constant 600 : i32
    %add3A_358 = arith.addi %mul3A_2, %add3A_357 : i32
    %dma_start3A_359 = arith.constant 0 : i32
    %dma_start3A_360 = tpu.memref_slice %arg3[%add3A_358, %dma_start3A_359] : memref<320000x128xf32, #tpu.memory_space<hbm>> -> memref<200x128xf32, #tpu.memory_space<hbm>>
    %dma_start3A_361 = arith.constant 0 : i32
    %dma_start3A_362 = tpu.memref_slice %arg3[%add3A_358, %dma_start3A_361] : memref<320000x128xf32, #tpu.memory_space<hbm>> -> memref<200x128xf32, #tpu.memory_space<hbm>>
    tpu.enqueue_dma source(%arg4 : memref<200x128xf32, #tpu.memory_space<vmem>>) target(%dma_start3A_362 : memref<200x128xf32, #tpu.memory_space<hbm>>) target_semaphore(%arg5 : memref<!tpu.dma_semaphore, #tpu.memory_space<semaphore_mem>>)
    %add3A_363 = arith.constant 800 : i32
    %add3A_364 = arith.addi %mul3A_2, %add3A_363 : i32
    %dma_start3A_365 = arith.constant 0 : i32
    %dma_start3A_366 = tpu.memref_slice %arg3[%add3A_364, %dma_start3A_365] : memref<320000x128xf32, #tpu.memory_space<hbm>> -> memref<200x128xf32, #tpu.memory_space<hbm>>
    %dma_start3A_367 = arith.constant 0 : i32
    %dma_start3A_368 = tpu.memref_slice %arg3[%add3A_364, %dma_start3A_367] : memref<320000x128xf32, #tpu.memory_space<hbm>> -> memref<200x128xf32, #tpu.memory_space<hbm>>
    tpu.enqueue_dma source(%arg4 : memref<200x128xf32, #tpu.memory_space<vmem>>) target(%dma_start3A_368 : memref<200x128xf32, #tpu.memory_space<hbm>>) target_semaphore(%arg5 : memref<!tpu.dma_semaphore, #tpu.memory_space<semaphore_mem>>)
    %add3A_369 = arith.constant 1000 : i32
    %add3A_370 = arith.addi %mul3A_2, %add3A_369 : i32
    %dma_start3A_371 = arith.constant 0 : i32
    %dma_start3A_372 = tpu.memref_slice %arg3[%add3A_370, %dma_start3A_371] : memref<320000x128xf32, #tpu.memory_space<hbm>> -> memref<200x128xf32, #tpu.memory_space<hbm>>
    %dma_start3A_373 = arith.constant 0 : i32
    %dma_start3A_374 = tpu.memref_slice %arg3[%add3A_370, %dma_start3A_373] : memref<320000x128xf32, #tpu.memory_space<hbm>> -> memref<200x128xf32, #tpu.memory_space<hbm>>
    tpu.enqueue_dma source(%arg4 : memref<200x128xf32, #tpu.memory_space<vmem>>) target(%dma_start3A_374 : memref<200x128xf32, #tpu.memory_space<hbm>>) target_semaphore(%arg5 : memref<!tpu.dma_semaphore, #tpu.memory_space<semaphore_mem>>)
    %add3A_375 = arith.constant 1200 : i32
    %add3A_376 = arith.addi %mul3A_2, %add3A_375 : i32
    %dma_start3A_377 = arith.constant 0 : i32
    %dma_start3A_378 = tpu.memref_slice %arg3[%add3A_376, %dma_start3A_377] : memref<320000x128xf32, #tpu.memory_space<hbm>> -> memref<200x128xf32, #tpu.memory_space<hbm>>
    %dma_start3A_379 = arith.constant 0 : i32
    %dma_start3A_380 = tpu.memref_slice %arg3[%add3A_376, %dma_start3A_379] : memref<320000x128xf32, #tpu.memory_space<hbm>> -> memref<200x128xf32, #tpu.memory_space<hbm>>
    tpu.enqueue_dma source(%arg4 : memref<200x128xf32, #tpu.memory_space<vmem>>) target(%dma_start3A_380 : memref<200x128xf32, #tpu.memory_space<hbm>>) target_semaphore(%arg5 : memref<!tpu.dma_semaphore, #tpu.memory_space<semaphore_mem>>)
    %add3A_381 = arith.constant 1400 : i32
    %add3A_382 = arith.addi %mul3A_2, %add3A_381 : i32
    %dma_start3A_383 = arith.constant 0 : i32
    %dma_start3A_384 = tpu.memref_slice %arg3[%add3A_382, %dma_start3A_383] : memref<320000x128xf32, #tpu.memory_space<hbm>> -> memref<200x128xf32, #tpu.memory_space<hbm>>
    %dma_start3A_385 = arith.constant 0 : i32
    %dma_start3A_386 = tpu.memref_slice %arg3[%add3A_382, %dma_start3A_385] : memref<320000x128xf32, #tpu.memory_space<hbm>> -> memref<200x128xf32, #tpu.memory_space<hbm>>
    tpu.enqueue_dma source(%arg4 : memref<200x128xf32, #tpu.memory_space<vmem>>) target(%dma_start3A_386 : memref<200x128xf32, #tpu.memory_space<hbm>>) target_semaphore(%arg5 : memref<!tpu.dma_semaphore, #tpu.memory_space<semaphore_mem>>)
    %add3A_387 = arith.constant 1600 : i32
    %add3A_388 = arith.addi %mul3A_2, %add3A_387 : i32
    %dma_start3A_389 = arith.constant 0 : i32
    %dma_start3A_390 = tpu.memref_slice %arg3[%add3A_388, %dma_start3A_389] : memref<320000x128xf32, #tpu.memory_space<hbm>> -> memref<200x128xf32, #tpu.memory_space<hbm>>
    %dma_start3A_391 = arith.constant 0 : i32
    %dma_start3A_392 = tpu.memref_slice %arg3[%add3A_388, %dma_start3A_391] : memref<320000x128xf32, #tpu.memory_space<hbm>> -> memref<200x128xf32, #tpu.memory_space<hbm>>
    tpu.enqueue_dma source(%arg4 : memref<200x128xf32, #tpu.memory_space<vmem>>) target(%dma_start3A_392 : memref<200x128xf32, #tpu.memory_space<hbm>>) target_semaphore(%arg5 : memref<!tpu.dma_semaphore, #tpu.memory_space<semaphore_mem>>)
    %add3A_393 = arith.constant 1800 : i32
    %add3A_394 = arith.addi %mul3A_2, %add3A_393 : i32
    %dma_start3A_395 = arith.constant 0 : i32
    %dma_start3A_396 = tpu.memref_slice %arg3[%add3A_394, %dma_start3A_395] : memref<320000x128xf32, #tpu.memory_space<hbm>> -> memref<200x128xf32, #tpu.memory_space<hbm>>
    %dma_start3A_397 = arith.constant 0 : i32
    %dma_start3A_398 = tpu.memref_slice %arg3[%add3A_394, %dma_start3A_397] : memref<320000x128xf32, #tpu.memory_space<hbm>> -> memref<200x128xf32, #tpu.memory_space<hbm>>
    tpu.enqueue_dma source(%arg4 : memref<200x128xf32, #tpu.memory_space<vmem>>) target(%dma_start3A_398 : memref<200x128xf32, #tpu.memory_space<hbm>>) target_semaphore(%arg5 : memref<!tpu.dma_semaphore, #tpu.memory_space<semaphore_mem>>)
    %add3A_399 = arith.constant 2000 : i32
    %add3A_400 = arith.addi %mul3A_2, %add3A_399 : i32
    %dma_start3A_401 = arith.constant 0 : i32
    %dma_start3A_402 = tpu.memref_slice %arg3[%add3A_400, %dma_start3A_401] : memref<320000x128xf32, #tpu.memory_space<hbm>> -> memref<200x128xf32, #tpu.memory_space<hbm>>
    %dma_start3A_403 = arith.constant 0 : i32
    %dma_start3A_404 = tpu.memref_slice %arg3[%add3A_400, %dma_start3A_403] : memref<320000x128xf32, #tpu.memory_space<hbm>> -> memref<200x128xf32, #tpu.memory_space<hbm>>
    tpu.enqueue_dma source(%arg4 : memref<200x128xf32, #tpu.memory_space<vmem>>) target(%dma_start3A_404 : memref<200x128xf32, #tpu.memory_space<hbm>>) target_semaphore(%arg5 : memref<!tpu.dma_semaphore, #tpu.memory_space<semaphore_mem>>)
    %add3A_405 = arith.constant 2200 : i32
    %add3A_406 = arith.addi %mul3A_2, %add3A_405 : i32
    %dma_start3A_407 = arith.constant 0 : i32
    %dma_start3A_408 = tpu.memref_slice %arg3[%add3A_406, %dma_start3A_407] : memref<320000x128xf32, #tpu.memory_space<hbm>> -> memref<200x128xf32, #tpu.memory_space<hbm>>
    %dma_start3A_409 = arith.constant 0 : i32
    %dma_start3A_410 = tpu.memref_slice %arg3[%add3A_406, %dma_start3A_409] : memref<320000x128xf32, #tpu.memory_space<hbm>> -> memref<200x128xf32, #tpu.memory_space<hbm>>
    tpu.enqueue_dma source(%arg4 : memref<200x128xf32, #tpu.memory_space<vmem>>) target(%dma_start3A_410 : memref<200x128xf32, #tpu.memory_space<hbm>>) target_semaphore(%arg5 : memref<!tpu.dma_semaphore, #tpu.memory_space<semaphore_mem>>)
    %add3A_411 = arith.constant 2400 : i32
    %add3A_412 = arith.addi %mul3A_2, %add3A_411 : i32
    %dma_start3A_413 = arith.constant 0 : i32
    %dma_start3A_414 = tpu.memref_slice %arg3[%add3A_412, %dma_start3A_413] : memref<320000x128xf32, #tpu.memory_space<hbm>> -> memref<200x128xf32, #tpu.memory_space<hbm>>
    %dma_start3A_415 = arith.constant 0 : i32
    %dma_start3A_416 = tpu.memref_slice %arg3[%add3A_412, %dma_start3A_415] : memref<320000x128xf32, #tpu.memory_space<hbm>> -> memref<200x128xf32, #tpu.memory_space<hbm>>
    tpu.enqueue_dma source(%arg4 : memref<200x128xf32, #tpu.memory_space<vmem>>) target(%dma_start3A_416 : memref<200x128xf32, #tpu.memory_space<hbm>>) target_semaphore(%arg5 : memref<!tpu.dma_semaphore, #tpu.memory_space<semaphore_mem>>)
    %add3A_417 = arith.constant 2600 : i32
    %add3A_418 = arith.addi %mul3A_2, %add3A_417 : i32
    %dma_start3A_419 = arith.constant 0 : i32
    %dma_start3A_420 = tpu.memref_slice %arg3[%add3A_418, %dma_start3A_419] : memref<320000x128xf32, #tpu.memory_space<hbm>> -> memref<200x128xf32, #tpu.memory_space<hbm>>
    %dma_start3A_421 = arith.constant 0 : i32
    %dma_start3A_422 = tpu.memref_slice %arg3[%add3A_418, %dma_start3A_421] : memref<320000x128xf32, #tpu.memory_space<hbm>> -> memref<200x128xf32, #tpu.memory_space<hbm>>
    tpu.enqueue_dma source(%arg4 : memref<200x128xf32, #tpu.memory_space<vmem>>) target(%dma_start3A_422 : memref<200x128xf32, #tpu.memory_space<hbm>>) target_semaphore(%arg5 : memref<!tpu.dma_semaphore, #tpu.memory_space<semaphore_mem>>)
    %add3A_423 = arith.constant 2800 : i32
    %add3A_424 = arith.addi %mul3A_2, %add3A_423 : i32
    %dma_start3A_425 = arith.constant 0 : i32
    %dma_start3A_426 = tpu.memref_slice %arg3[%add3A_424, %dma_start3A_425] : memref<320000x128xf32, #tpu.memory_space<hbm>> -> memref<200x128xf32, #tpu.memory_space<hbm>>
    %dma_start3A_427 = arith.constant 0 : i32
    %dma_start3A_428 = tpu.memref_slice %arg3[%add3A_424, %dma_start3A_427] : memref<320000x128xf32, #tpu.memory_space<hbm>> -> memref<200x128xf32, #tpu.memory_space<hbm>>
    tpu.enqueue_dma source(%arg4 : memref<200x128xf32, #tpu.memory_space<vmem>>) target(%dma_start3A_428 : memref<200x128xf32, #tpu.memory_space<hbm>>) target_semaphore(%arg5 : memref<!tpu.dma_semaphore, #tpu.memory_space<semaphore_mem>>)
    %add3A_429 = arith.constant 3000 : i32
    %add3A_430 = arith.addi %mul3A_2, %add3A_429 : i32
    %dma_start3A_431 = arith.constant 0 : i32
    %dma_start3A_432 = tpu.memref_slice %arg3[%add3A_430, %dma_start3A_431] : memref<320000x128xf32, #tpu.memory_space<hbm>> -> memref<200x128xf32, #tpu.memory_space<hbm>>
    %dma_start3A_433 = arith.constant 0 : i32
    %dma_start3A_434 = tpu.memref_slice %arg3[%add3A_430, %dma_start3A_433] : memref<320000x128xf32, #tpu.memory_space<hbm>> -> memref<200x128xf32, #tpu.memory_space<hbm>>
    tpu.enqueue_dma source(%arg4 : memref<200x128xf32, #tpu.memory_space<vmem>>) target(%dma_start3A_434 : memref<200x128xf32, #tpu.memory_space<hbm>>) target_semaphore(%arg5 : memref<!tpu.dma_semaphore, #tpu.memory_space<semaphore_mem>>)
    %add3A_435 = arith.constant 3200 : i32
    %add3A_436 = arith.addi %mul3A_2, %add3A_435 : i32
    %dma_start3A_437 = arith.constant 0 : i32
    %dma_start3A_438 = tpu.memref_slice %arg3[%add3A_436, %dma_start3A_437] : memref<320000x128xf32, #tpu.memory_space<hbm>> -> memref<200x128xf32, #tpu.memory_space<hbm>>
    %dma_start3A_439 = arith.constant 0 : i32
    %dma_start3A_440 = tpu.memref_slice %arg3[%add3A_436, %dma_start3A_439] : memref<320000x128xf32, #tpu.memory_space<hbm>> -> memref<200x128xf32, #tpu.memory_space<hbm>>
    tpu.enqueue_dma source(%arg4 : memref<200x128xf32, #tpu.memory_space<vmem>>) target(%dma_start3A_440 : memref<200x128xf32, #tpu.memory_space<hbm>>) target_semaphore(%arg5 : memref<!tpu.dma_semaphore, #tpu.memory_space<semaphore_mem>>)
    %add3A_441 = arith.constant 3400 : i32
    %add3A_442 = arith.addi %mul3A_2, %add3A_441 : i32
    %dma_start3A_443 = arith.constant 0 : i32
    %dma_start3A_444 = tpu.memref_slice %arg3[%add3A_442, %dma_start3A_443] : memref<320000x128xf32, #tpu.memory_space<hbm>> -> memref<200x128xf32, #tpu.memory_space<hbm>>
    %dma_start3A_445 = arith.constant 0 : i32
    %dma_start3A_446 = tpu.memref_slice %arg3[%add3A_442, %dma_start3A_445] : memref<320000x128xf32, #tpu.memory_space<hbm>> -> memref<200x128xf32, #tpu.memory_space<hbm>>
    tpu.enqueue_dma source(%arg4 : memref<200x128xf32, #tpu.memory_space<vmem>>) target(%dma_start3A_446 : memref<200x128xf32, #tpu.memory_space<hbm>>) target_semaphore(%arg5 : memref<!tpu.dma_semaphore, #tpu.memory_space<semaphore_mem>>)
    %add3A_447 = arith.constant 3600 : i32
    %add3A_448 = arith.addi %mul3A_2, %add3A_447 : i32
    %dma_start3A_449 = arith.constant 0 : i32
    %dma_start3A_450 = tpu.memref_slice %arg3[%add3A_448, %dma_start3A_449] : memref<320000x128xf32, #tpu.memory_space<hbm>> -> memref<200x128xf32, #tpu.memory_space<hbm>>
    %dma_start3A_451 = arith.constant 0 : i32
    %dma_start3A_452 = tpu.memref_slice %arg3[%add3A_448, %dma_start3A_451] : memref<320000x128xf32, #tpu.memory_space<hbm>> -> memref<200x128xf32, #tpu.memory_space<hbm>>
    tpu.enqueue_dma source(%arg4 : memref<200x128xf32, #tpu.memory_space<vmem>>) target(%dma_start3A_452 : memref<200x128xf32, #tpu.memory_space<hbm>>) target_semaphore(%arg5 : memref<!tpu.dma_semaphore, #tpu.memory_space<semaphore_mem>>)
    %add3A_453 = arith.constant 3800 : i32
    %add3A_454 = arith.addi %mul3A_2, %add3A_453 : i32
    %dma_start3A_455 = arith.constant 0 : i32
    %dma_start3A_456 = tpu.memref_slice %arg3[%add3A_454, %dma_start3A_455] : memref<320000x128xf32, #tpu.memory_space<hbm>> -> memref<200x128xf32, #tpu.memory_space<hbm>>
    %dma_start3A_457 = arith.constant 0 : i32
    %dma_start3A_458 = tpu.memref_slice %arg3[%add3A_454, %dma_start3A_457] : memref<320000x128xf32, #tpu.memory_space<hbm>> -> memref<200x128xf32, #tpu.memory_space<hbm>>
    tpu.enqueue_dma source(%arg4 : memref<200x128xf32, #tpu.memory_space<vmem>>) target(%dma_start3A_458 : memref<200x128xf32, #tpu.memory_space<hbm>>) target_semaphore(%arg5 : memref<!tpu.dma_semaphore, #tpu.memory_space<semaphore_mem>>)
    %add3A_459 = arith.constant 4000 : i32
    %add3A_460 = arith.addi %mul3A_2, %add3A_459 : i32
    %dma_start3A_461 = arith.constant 0 : i32
    %dma_start3A_462 = tpu.memref_slice %arg3[%add3A_460, %dma_start3A_461] : memref<320000x128xf32, #tpu.memory_space<hbm>> -> memref<200x128xf32, #tpu.memory_space<hbm>>
    %dma_start3A_463 = arith.constant 0 : i32
    %dma_start3A_464 = tpu.memref_slice %arg3[%add3A_460, %dma_start3A_463] : memref<320000x128xf32, #tpu.memory_space<hbm>> -> memref<200x128xf32, #tpu.memory_space<hbm>>
    tpu.enqueue_dma source(%arg4 : memref<200x128xf32, #tpu.memory_space<vmem>>) target(%dma_start3A_464 : memref<200x128xf32, #tpu.memory_space<hbm>>) target_semaphore(%arg5 : memref<!tpu.dma_semaphore, #tpu.memory_space<semaphore_mem>>)
    %add3A_465 = arith.constant 4200 : i32
    %add3A_466 = arith.addi %mul3A_2, %add3A_465 : i32
    %dma_start3A_467 = arith.constant 0 : i32
    %dma_start3A_468 = tpu.memref_slice %arg3[%add3A_466, %dma_start3A_467] : memref<320000x128xf32, #tpu.memory_space<hbm>> -> memref<200x128xf32, #tpu.memory_space<hbm>>
    %dma_start3A_469 = arith.constant 0 : i32
    %dma_start3A_470 = tpu.memref_slice %arg3[%add3A_466, %dma_start3A_469] : memref<320000x128xf32, #tpu.memory_space<hbm>> -> memref<200x128xf32, #tpu.memory_space<hbm>>
    tpu.enqueue_dma source(%arg4 : memref<200x128xf32, #tpu.memory_space<vmem>>) target(%dma_start3A_470 : memref<200x128xf32, #tpu.memory_space<hbm>>) target_semaphore(%arg5 : memref<!tpu.dma_semaphore, #tpu.memory_space<semaphore_mem>>)
    %add3A_471 = arith.constant 4400 : i32
    %add3A_472 = arith.addi %mul3A_2, %add3A_471 : i32
    %dma_start3A_473 = arith.constant 0 : i32
    %dma_start3A_474 = tpu.memref_slice %arg3[%add3A_472, %dma_start3A_473] : memref<320000x128xf32, #tpu.memory_space<hbm>> -> memref<200x128xf32, #tpu.memory_space<hbm>>
    %dma_start3A_475 = arith.constant 0 : i32
    %dma_start3A_476 = tpu.memref_slice %arg3[%add3A_472, %dma_start3A_475] : memref<320000x128xf32, #tpu.memory_space<hbm>> -> memref<200x128xf32, #tpu.memory_space<hbm>>
    tpu.enqueue_dma source(%arg4 : memref<200x128xf32, #tpu.memory_space<vmem>>) target(%dma_start3A_476 : memref<200x128xf32, #tpu.memory_space<hbm>>) target_semaphore(%arg5 : memref<!tpu.dma_semaphore, #tpu.memory_space<semaphore_mem>>)
    %add3A_477 = arith.constant 4600 : i32
    %add3A_478 = arith.addi %mul3A_2, %add3A_477 : i32
    %dma_start3A_479 = arith.constant 0 : i32
    %dma_start3A_480 = tpu.memref_slice %arg3[%add3A_478, %dma_start3A_479] : memref<320000x128xf32, #tpu.memory_space<hbm>> -> memref<200x128xf32, #tpu.memory_space<hbm>>
    %dma_start3A_481 = arith.constant 0 : i32
    %dma_start3A_482 = tpu.memref_slice %arg3[%add3A_478, %dma_start3A_481] : memref<320000x128xf32, #tpu.memory_space<hbm>> -> memref<200x128xf32, #tpu.memory_space<hbm>>
    tpu.enqueue_dma source(%arg4 : memref<200x128xf32, #tpu.memory_space<vmem>>) target(%dma_start3A_482 : memref<200x128xf32, #tpu.memory_space<hbm>>) target_semaphore(%arg5 : memref<!tpu.dma_semaphore, #tpu.memory_space<semaphore_mem>>)
    %add3A_483 = arith.constant 4800 : i32
    %add3A_484 = arith.addi %mul3A_2, %add3A_483 : i32
    %dma_start3A_485 = arith.constant 0 : i32
    %dma_start3A_486 = tpu.memref_slice %arg3[%add3A_484, %dma_start3A_485] : memref<320000x128xf32, #tpu.memory_space<hbm>> -> memref<200x128xf32, #tpu.memory_space<hbm>>
    %dma_start3A_487 = arith.constant 0 : i32
    %dma_start3A_488 = tpu.memref_slice %arg3[%add3A_484, %dma_start3A_487] : memref<320000x128xf32, #tpu.memory_space<hbm>> -> memref<200x128xf32, #tpu.memory_space<hbm>>
    tpu.enqueue_dma source(%arg4 : memref<200x128xf32, #tpu.memory_space<vmem>>) target(%dma_start3A_488 : memref<200x128xf32, #tpu.memory_space<hbm>>) target_semaphore(%arg5 : memref<!tpu.dma_semaphore, #tpu.memory_space<semaphore_mem>>)
    %add3A_489 = arith.constant 5000 : i32
    %add3A_490 = arith.addi %mul3A_2, %add3A_489 : i32
    %dma_start3A_491 = arith.constant 0 : i32
    %dma_start3A_492 = tpu.memref_slice %arg3[%add3A_490, %dma_start3A_491] : memref<320000x128xf32, #tpu.memory_space<hbm>> -> memref<200x128xf32, #tpu.memory_space<hbm>>
    %dma_start3A_493 = arith.constant 0 : i32
    %dma_start3A_494 = tpu.memref_slice %arg3[%add3A_490, %dma_start3A_493] : memref<320000x128xf32, #tpu.memory_space<hbm>> -> memref<200x128xf32, #tpu.memory_space<hbm>>
    tpu.enqueue_dma source(%arg4 : memref<200x128xf32, #tpu.memory_space<vmem>>) target(%dma_start3A_494 : memref<200x128xf32, #tpu.memory_space<hbm>>) target_semaphore(%arg5 : memref<!tpu.dma_semaphore, #tpu.memory_space<semaphore_mem>>)
    %add3A_495 = arith.constant 5200 : i32
    %add3A_496 = arith.addi %mul3A_2, %add3A_495 : i32
    %dma_start3A_497 = arith.constant 0 : i32
    %dma_start3A_498 = tpu.memref_slice %arg3[%add3A_496, %dma_start3A_497] : memref<320000x128xf32, #tpu.memory_space<hbm>> -> memref<200x128xf32, #tpu.memory_space<hbm>>
    %dma_start3A_499 = arith.constant 0 : i32
    %dma_start3A_500 = tpu.memref_slice %arg3[%add3A_496, %dma_start3A_499] : memref<320000x128xf32, #tpu.memory_space<hbm>> -> memref<200x128xf32, #tpu.memory_space<hbm>>
    tpu.enqueue_dma source(%arg4 : memref<200x128xf32, #tpu.memory_space<vmem>>) target(%dma_start3A_500 : memref<200x128xf32, #tpu.memory_space<hbm>>) target_semaphore(%arg5 : memref<!tpu.dma_semaphore, #tpu.memory_space<semaphore_mem>>)
    %add3A_501 = arith.constant 5400 : i32
    %add3A_502 = arith.addi %mul3A_2, %add3A_501 : i32
    %dma_start3A_503 = arith.constant 0 : i32
    %dma_start3A_504 = tpu.memref_slice %arg3[%add3A_502, %dma_start3A_503] : memref<320000x128xf32, #tpu.memory_space<hbm>> -> memref<200x128xf32, #tpu.memory_space<hbm>>
    %dma_start3A_505 = arith.constant 0 : i32
    %dma_start3A_506 = tpu.memref_slice %arg3[%add3A_502, %dma_start3A_505] : memref<320000x128xf32, #tpu.memory_space<hbm>> -> memref<200x128xf32, #tpu.memory_space<hbm>>
    tpu.enqueue_dma source(%arg4 : memref<200x128xf32, #tpu.memory_space<vmem>>) target(%dma_start3A_506 : memref<200x128xf32, #tpu.memory_space<hbm>>) target_semaphore(%arg5 : memref<!tpu.dma_semaphore, #tpu.memory_space<semaphore_mem>>)
    %add3A_507 = arith.constant 5600 : i32
    %add3A_508 = arith.addi %mul3A_2, %add3A_507 : i32
    %dma_start3A_509 = arith.constant 0 : i32
    %dma_start3A_510 = tpu.memref_slice %arg3[%add3A_508, %dma_start3A_509] : memref<320000x128xf32, #tpu.memory_space<hbm>> -> memref<200x128xf32, #tpu.memory_space<hbm>>
    %dma_start3A_511 = arith.constant 0 : i32
    %dma_start3A_512 = tpu.memref_slice %arg3[%add3A_508, %dma_start3A_511] : memref<320000x128xf32, #tpu.memory_space<hbm>> -> memref<200x128xf32, #tpu.memory_space<hbm>>
    tpu.enqueue_dma source(%arg4 : memref<200x128xf32, #tpu.memory_space<vmem>>) target(%dma_start3A_512 : memref<200x128xf32, #tpu.memory_space<hbm>>) target_semaphore(%arg5 : memref<!tpu.dma_semaphore, #tpu.memory_space<semaphore_mem>>)
    %add3A_513 = arith.constant 5800 : i32
    %add3A_514 = arith.addi %mul3A_2, %add3A_513 : i32
    %dma_start3A_515 = arith.constant 0 : i32
    %dma_start3A_516 = tpu.memref_slice %arg3[%add3A_514, %dma_start3A_515] : memref<320000x128xf32, #tpu.memory_space<hbm>> -> memref<200x128xf32, #tpu.memory_space<hbm>>
    %dma_start3A_517 = arith.constant 0 : i32
    %dma_start3A_518 = tpu.memref_slice %arg3[%add3A_514, %dma_start3A_517] : memref<320000x128xf32, #tpu.memory_space<hbm>> -> memref<200x128xf32, #tpu.memory_space<hbm>>
    tpu.enqueue_dma source(%arg4 : memref<200x128xf32, #tpu.memory_space<vmem>>) target(%dma_start3A_518 : memref<200x128xf32, #tpu.memory_space<hbm>>) target_semaphore(%arg5 : memref<!tpu.dma_semaphore, #tpu.memory_space<semaphore_mem>>)
    %add3A_519 = arith.constant 6000 : i32
    %add3A_520 = arith.addi %mul3A_2, %add3A_519 : i32
    %dma_start3A_521 = arith.constant 0 : i32
    %dma_start3A_522 = tpu.memref_slice %arg3[%add3A_520, %dma_start3A_521] : memref<320000x128xf32, #tpu.memory_space<hbm>> -> memref<200x128xf32, #tpu.memory_space<hbm>>
    %dma_start3A_523 = arith.constant 0 : i32
    %dma_start3A_524 = tpu.memref_slice %arg3[%add3A_520, %dma_start3A_523] : memref<320000x128xf32, #tpu.memory_space<hbm>> -> memref<200x128xf32, #tpu.memory_space<hbm>>
    tpu.enqueue_dma source(%arg4 : memref<200x128xf32, #tpu.memory_space<vmem>>) target(%dma_start3A_524 : memref<200x128xf32, #tpu.memory_space<hbm>>) target_semaphore(%arg5 : memref<!tpu.dma_semaphore, #tpu.memory_space<semaphore_mem>>)
    %add3A_525 = arith.constant 6200 : i32
    %add3A_526 = arith.addi %mul3A_2, %add3A_525 : i32
    %dma_start3A_527 = arith.constant 0 : i32
    %dma_start3A_528 = tpu.memref_slice %arg3[%add3A_526, %dma_start3A_527] : memref<320000x128xf32, #tpu.memory_space<hbm>> -> memref<200x128xf32, #tpu.memory_space<hbm>>
    %dma_start3A_529 = arith.constant 0 : i32
    %dma_start3A_530 = tpu.memref_slice %arg3[%add3A_526, %dma_start3A_529] : memref<320000x128xf32, #tpu.memory_space<hbm>> -> memref<200x128xf32, #tpu.memory_space<hbm>>
    tpu.enqueue_dma source(%arg4 : memref<200x128xf32, #tpu.memory_space<vmem>>) target(%dma_start3A_530 : memref<200x128xf32, #tpu.memory_space<hbm>>) target_semaphore(%arg5 : memref<!tpu.dma_semaphore, #tpu.memory_space<semaphore_mem>>)
    %add3A_531 = arith.constant 6400 : i32
    %add3A_532 = arith.addi %mul3A_2, %add3A_531 : i32
    %dma_start3A_533 = arith.constant 0 : i32
    %dma_start3A_534 = tpu.memref_slice %arg3[%add3A_532, %dma_start3A_533] : memref<320000x128xf32, #tpu.memory_space<hbm>> -> memref<200x128xf32, #tpu.memory_space<hbm>>
    %dma_start3A_535 = arith.constant 0 : i32
    %dma_start3A_536 = tpu.memref_slice %arg3[%add3A_532, %dma_start3A_535] : memref<320000x128xf32, #tpu.memory_space<hbm>> -> memref<200x128xf32, #tpu.memory_space<hbm>>
    tpu.enqueue_dma source(%arg4 : memref<200x128xf32, #tpu.memory_space<vmem>>) target(%dma_start3A_536 : memref<200x128xf32, #tpu.memory_space<hbm>>) target_semaphore(%arg5 : memref<!tpu.dma_semaphore, #tpu.memory_space<semaphore_mem>>)
    %add3A_537 = arith.constant 6600 : i32
    %add3A_538 = arith.addi %mul3A_2, %add3A_537 : i32
    %dma_start3A_539 = arith.constant 0 : i32
    %dma_start3A_540 = tpu.memref_slice %arg3[%add3A_538, %dma_start3A_539] : memref<320000x128xf32, #tpu.memory_space<hbm>> -> memref<200x128xf32, #tpu.memory_space<hbm>>
    %dma_start3A_541 = arith.constant 0 : i32
    %dma_start3A_542 = tpu.memref_slice %arg3[%add3A_538, %dma_start3A_541] : memref<320000x128xf32, #tpu.memory_space<hbm>> -> memref<200x128xf32, #tpu.memory_space<hbm>>
    tpu.enqueue_dma source(%arg4 : memref<200x128xf32, #tpu.memory_space<vmem>>) target(%dma_start3A_542 : memref<200x128xf32, #tpu.memory_space<hbm>>) target_semaphore(%arg5 : memref<!tpu.dma_semaphore, #tpu.memory_space<semaphore_mem>>)
    %add3A_543 = arith.constant 6800 : i32
    %add3A_544 = arith.addi %mul3A_2, %add3A_543 : i32
    %dma_start3A_545 = arith.constant 0 : i32
    %dma_start3A_546 = tpu.memref_slice %arg3[%add3A_544, %dma_start3A_545] : memref<320000x128xf32, #tpu.memory_space<hbm>> -> memref<200x128xf32, #tpu.memory_space<hbm>>
    %dma_start3A_547 = arith.constant 0 : i32
    %dma_start3A_548 = tpu.memref_slice %arg3[%add3A_544, %dma_start3A_547] : memref<320000x128xf32, #tpu.memory_space<hbm>> -> memref<200x128xf32, #tpu.memory_space<hbm>>
    tpu.enqueue_dma source(%arg4 : memref<200x128xf32, #tpu.memory_space<vmem>>) target(%dma_start3A_548 : memref<200x128xf32, #tpu.memory_space<hbm>>) target_semaphore(%arg5 : memref<!tpu.dma_semaphore, #tpu.memory_space<semaphore_mem>>)
    %add3A_549 = arith.constant 7000 : i32
    %add3A_550 = arith.addi %mul3A_2, %add3A_549 : i32
    %dma_start3A_551 = arith.constant 0 : i32
    %dma_start3A_552 = tpu.memref_slice %arg3[%add3A_550, %dma_start3A_551] : memref<320000x128xf32, #tpu.memory_space<hbm>> -> memref<200x128xf32, #tpu.memory_space<hbm>>
    %dma_start3A_553 = arith.constant 0 : i32
    %dma_start3A_554 = tpu.memref_slice %arg3[%add3A_550, %dma_start3A_553] : memref<320000x128xf32, #tpu.memory_space<hbm>> -> memref<200x128xf32, #tpu.memory_space<hbm>>
    tpu.enqueue_dma source(%arg4 : memref<200x128xf32, #tpu.memory_space<vmem>>) target(%dma_start3A_554 : memref<200x128xf32, #tpu.memory_space<hbm>>) target_semaphore(%arg5 : memref<!tpu.dma_semaphore, #tpu.memory_space<semaphore_mem>>)
    %add3A_555 = arith.constant 7200 : i32
    %add3A_556 = arith.addi %mul3A_2, %add3A_555 : i32
    %dma_start3A_557 = arith.constant 0 : i32
    %dma_start3A_558 = tpu.memref_slice %arg3[%add3A_556, %dma_start3A_557] : memref<320000x128xf32, #tpu.memory_space<hbm>> -> memref<200x128xf32, #tpu.memory_space<hbm>>
    %dma_start3A_559 = arith.constant 0 : i32
    %dma_start3A_560 = tpu.memref_slice %arg3[%add3A_556, %dma_start3A_559] : memref<320000x128xf32, #tpu.memory_space<hbm>> -> memref<200x128xf32, #tpu.memory_space<hbm>>
    tpu.enqueue_dma source(%arg4 : memref<200x128xf32, #tpu.memory_space<vmem>>) target(%dma_start3A_560 : memref<200x128xf32, #tpu.memory_space<hbm>>) target_semaphore(%arg5 : memref<!tpu.dma_semaphore, #tpu.memory_space<semaphore_mem>>)
    %add3A_561 = arith.constant 7400 : i32
    %add3A_562 = arith.addi %mul3A_2, %add3A_561 : i32
    %dma_start3A_563 = arith.constant 0 : i32
    %dma_start3A_564 = tpu.memref_slice %arg3[%add3A_562, %dma_start3A_563] : memref<320000x128xf32, #tpu.memory_space<hbm>> -> memref<200x128xf32, #tpu.memory_space<hbm>>
    %dma_start3A_565 = arith.constant 0 : i32
    %dma_start3A_566 = tpu.memref_slice %arg3[%add3A_562, %dma_start3A_565] : memref<320000x128xf32, #tpu.memory_space<hbm>> -> memref<200x128xf32, #tpu.memory_space<hbm>>
    tpu.enqueue_dma source(%arg4 : memref<200x128xf32, #tpu.memory_space<vmem>>) target(%dma_start3A_566 : memref<200x128xf32, #tpu.memory_space<hbm>>) target_semaphore(%arg5 : memref<!tpu.dma_semaphore, #tpu.memory_space<semaphore_mem>>)
    %add3A_567 = arith.constant 7600 : i32
    %add3A_568 = arith.addi %mul3A_2, %add3A_567 : i32
    %dma_start3A_569 = arith.constant 0 : i32
    %dma_start3A_570 = tpu.memref_slice %arg3[%add3A_568, %dma_start3A_569] : memref<320000x128xf32, #tpu.memory_space<hbm>> -> memref<200x128xf32, #tpu.memory_space<hbm>>
    %dma_start3A_571 = arith.constant 0 : i32
    %dma_start3A_572 = tpu.memref_slice %arg3[%add3A_568, %dma_start3A_571] : memref<320000x128xf32, #tpu.memory_space<hbm>> -> memref<200x128xf32, #tpu.memory_space<hbm>>
    tpu.enqueue_dma source(%arg4 : memref<200x128xf32, #tpu.memory_space<vmem>>) target(%dma_start3A_572 : memref<200x128xf32, #tpu.memory_space<hbm>>) target_semaphore(%arg5 : memref<!tpu.dma_semaphore, #tpu.memory_space<semaphore_mem>>)
    %add3A_573 = arith.constant 7800 : i32
    %add3A_574 = arith.addi %mul3A_2, %add3A_573 : i32
    %dma_start3A_575 = arith.constant 0 : i32
    %dma_start3A_576 = tpu.memref_slice %arg3[%add3A_574, %dma_start3A_575] : memref<320000x128xf32, #tpu.memory_space<hbm>> -> memref<200x128xf32, #tpu.memory_space<hbm>>
    %dma_start3A_577 = arith.constant 0 : i32
    %dma_start3A_578 = tpu.memref_slice %arg3[%add3A_574, %dma_start3A_577] : memref<320000x128xf32, #tpu.memory_space<hbm>> -> memref<200x128xf32, #tpu.memory_space<hbm>>
    tpu.enqueue_dma source(%arg4 : memref<200x128xf32, #tpu.memory_space<vmem>>) target(%dma_start3A_578 : memref<200x128xf32, #tpu.memory_space<hbm>>) target_semaphore(%arg5 : memref<!tpu.dma_semaphore, #tpu.memory_space<semaphore_mem>>)
    %add3A_579 = arith.constant 8000 : i32
    %add3A_580 = arith.addi %mul3A_2, %add3A_579 : i32
    %dma_start3A_581 = arith.constant 0 : i32
    %dma_start3A_582 = tpu.memref_slice %arg3[%add3A_580, %dma_start3A_581] : memref<320000x128xf32, #tpu.memory_space<hbm>> -> memref<200x128xf32, #tpu.memory_space<hbm>>
    %dma_start3A_583 = arith.constant 0 : i32
    %dma_start3A_584 = tpu.memref_slice %arg3[%add3A_580, %dma_start3A_583] : memref<320000x128xf32, #tpu.memory_space<hbm>> -> memref<200x128xf32, #tpu.memory_space<hbm>>
    tpu.enqueue_dma source(%arg4 : memref<200x128xf32, #tpu.memory_space<vmem>>) target(%dma_start3A_584 : memref<200x128xf32, #tpu.memory_space<hbm>>) target_semaphore(%arg5 : memref<!tpu.dma_semaphore, #tpu.memory_space<semaphore_mem>>)
    %add3A_585 = arith.constant 8200 : i32
    %add3A_586 = arith.addi %mul3A_2, %add3A_585 : i32
    %dma_start3A_587 = arith.constant 0 : i32
    %dma_start3A_588 = tpu.memref_slice %arg3[%add3A_586, %dma_start3A_587] : memref<320000x128xf32, #tpu.memory_space<hbm>> -> memref<200x128xf32, #tpu.memory_space<hbm>>
    %dma_start3A_589 = arith.constant 0 : i32
    %dma_start3A_590 = tpu.memref_slice %arg3[%add3A_586, %dma_start3A_589] : memref<320000x128xf32, #tpu.memory_space<hbm>> -> memref<200x128xf32, #tpu.memory_space<hbm>>
    tpu.enqueue_dma source(%arg4 : memref<200x128xf32, #tpu.memory_space<vmem>>) target(%dma_start3A_590 : memref<200x128xf32, #tpu.memory_space<hbm>>) target_semaphore(%arg5 : memref<!tpu.dma_semaphore, #tpu.memory_space<semaphore_mem>>)
    %add3A_591 = arith.constant 8400 : i32
    %add3A_592 = arith.addi %mul3A_2, %add3A_591 : i32
    %dma_start3A_593 = arith.constant 0 : i32
    %dma_start3A_594 = tpu.memref_slice %arg3[%add3A_592, %dma_start3A_593] : memref<320000x128xf32, #tpu.memory_space<hbm>> -> memref<200x128xf32, #tpu.memory_space<hbm>>
    %dma_start3A_595 = arith.constant 0 : i32
    %dma_start3A_596 = tpu.memref_slice %arg3[%add3A_592, %dma_start3A_595] : memref<320000x128xf32, #tpu.memory_space<hbm>> -> memref<200x128xf32, #tpu.memory_space<hbm>>
    tpu.enqueue_dma source(%arg4 : memref<200x128xf32, #tpu.memory_space<vmem>>) target(%dma_start3A_596 : memref<200x128xf32, #tpu.memory_space<hbm>>) target_semaphore(%arg5 : memref<!tpu.dma_semaphore, #tpu.memory_space<semaphore_mem>>)
    %add3A_597 = arith.constant 8600 : i32
    %add3A_598 = arith.addi %mul3A_2, %add3A_597 : i32
    %dma_start3A_599 = arith.constant 0 : i32
    %dma_start3A_600 = tpu.memref_slice %arg3[%add3A_598, %dma_start3A_599] : memref<320000x128xf32, #tpu.memory_space<hbm>> -> memref<200x128xf32, #tpu.memory_space<hbm>>
    %dma_start3A_601 = arith.constant 0 : i32
    %dma_start3A_602 = tpu.memref_slice %arg3[%add3A_598, %dma_start3A_601] : memref<320000x128xf32, #tpu.memory_space<hbm>> -> memref<200x128xf32, #tpu.memory_space<hbm>>
    tpu.enqueue_dma source(%arg4 : memref<200x128xf32, #tpu.memory_space<vmem>>) target(%dma_start3A_602 : memref<200x128xf32, #tpu.memory_space<hbm>>) target_semaphore(%arg5 : memref<!tpu.dma_semaphore, #tpu.memory_space<semaphore_mem>>)
    %add3A_603 = arith.constant 8800 : i32
    %add3A_604 = arith.addi %mul3A_2, %add3A_603 : i32
    %dma_start3A_605 = arith.constant 0 : i32
    %dma_start3A_606 = tpu.memref_slice %arg3[%add3A_604, %dma_start3A_605] : memref<320000x128xf32, #tpu.memory_space<hbm>> -> memref<200x128xf32, #tpu.memory_space<hbm>>
    %dma_start3A_607 = arith.constant 0 : i32
    %dma_start3A_608 = tpu.memref_slice %arg3[%add3A_604, %dma_start3A_607] : memref<320000x128xf32, #tpu.memory_space<hbm>> -> memref<200x128xf32, #tpu.memory_space<hbm>>
    tpu.enqueue_dma source(%arg4 : memref<200x128xf32, #tpu.memory_space<vmem>>) target(%dma_start3A_608 : memref<200x128xf32, #tpu.memory_space<hbm>>) target_semaphore(%arg5 : memref<!tpu.dma_semaphore, #tpu.memory_space<semaphore_mem>>)
    %add3A_609 = arith.constant 9000 : i32
    %add3A_610 = arith.addi %mul3A_2, %add3A_609 : i32
    %dma_start3A_611 = arith.constant 0 : i32
    %dma_start3A_612 = tpu.memref_slice %arg3[%add3A_610, %dma_start3A_611] : memref<320000x128xf32, #tpu.memory_space<hbm>> -> memref<200x128xf32, #tpu.memory_space<hbm>>
    %dma_start3A_613 = arith.constant 0 : i32
    %dma_start3A_614 = tpu.memref_slice %arg3[%add3A_610, %dma_start3A_613] : memref<320000x128xf32, #tpu.memory_space<hbm>> -> memref<200x128xf32, #tpu.memory_space<hbm>>
    tpu.enqueue_dma source(%arg4 : memref<200x128xf32, #tpu.memory_space<vmem>>) target(%dma_start3A_614 : memref<200x128xf32, #tpu.memory_space<hbm>>) target_semaphore(%arg5 : memref<!tpu.dma_semaphore, #tpu.memory_space<semaphore_mem>>)
    %add3A_615 = arith.constant 9200 : i32
    %add3A_616 = arith.addi %mul3A_2, %add3A_615 : i32
    %dma_start3A_617 = arith.constant 0 : i32
    %dma_start3A_618 = tpu.memref_slice %arg3[%add3A_616, %dma_start3A_617] : memref<320000x128xf32, #tpu.memory_space<hbm>> -> memref<200x128xf32, #tpu.memory_space<hbm>>
    %dma_start3A_619 = arith.constant 0 : i32
    %dma_start3A_620 = tpu.memref_slice %arg3[%add3A_616, %dma_start3A_619] : memref<320000x128xf32, #tpu.memory_space<hbm>> -> memref<200x128xf32, #tpu.memory_space<hbm>>
    tpu.enqueue_dma source(%arg4 : memref<200x128xf32, #tpu.memory_space<vmem>>) target(%dma_start3A_620 : memref<200x128xf32, #tpu.memory_space<hbm>>) target_semaphore(%arg5 : memref<!tpu.dma_semaphore, #tpu.memory_space<semaphore_mem>>)
    %add3A_621 = arith.constant 9400 : i32
    %add3A_622 = arith.addi %mul3A_2, %add3A_621 : i32
    %dma_start3A_623 = arith.constant 0 : i32
    %dma_start3A_624 = tpu.memref_slice %arg3[%add3A_622, %dma_start3A_623] : memref<320000x128xf32, #tpu.memory_space<hbm>> -> memref<200x128xf32, #tpu.memory_space<hbm>>
    %dma_start3A_625 = arith.constant 0 : i32
    %dma_start3A_626 = tpu.memref_slice %arg3[%add3A_622, %dma_start3A_625] : memref<320000x128xf32, #tpu.memory_space<hbm>> -> memref<200x128xf32, #tpu.memory_space<hbm>>
    tpu.enqueue_dma source(%arg4 : memref<200x128xf32, #tpu.memory_space<vmem>>) target(%dma_start3A_626 : memref<200x128xf32, #tpu.memory_space<hbm>>) target_semaphore(%arg5 : memref<!tpu.dma_semaphore, #tpu.memory_space<semaphore_mem>>)
    %add3A_627 = arith.constant 9600 : i32
    %add3A_628 = arith.addi %mul3A_2, %add3A_627 : i32
    %dma_start3A_629 = arith.constant 0 : i32
    %dma_start3A_630 = tpu.memref_slice %arg3[%add3A_628, %dma_start3A_629] : memref<320000x128xf32, #tpu.memory_space<hbm>> -> memref<200x128xf32, #tpu.memory_space<hbm>>
    %dma_start3A_631 = arith.constant 0 : i32
    %dma_start3A_632 = tpu.memref_slice %arg3[%add3A_628, %dma_start3A_631] : memref<320000x128xf32, #tpu.memory_space<hbm>> -> memref<200x128xf32, #tpu.memory_space<hbm>>
    tpu.enqueue_dma source(%arg4 : memref<200x128xf32, #tpu.memory_space<vmem>>) target(%dma_start3A_632 : memref<200x128xf32, #tpu.memory_space<hbm>>) target_semaphore(%arg5 : memref<!tpu.dma_semaphore, #tpu.memory_space<semaphore_mem>>)
    %add3A_633 = arith.constant 9800 : i32
    %add3A_634 = arith.addi %mul3A_2, %add3A_633 : i32
    %dma_start3A_635 = arith.constant 0 : i32
    %dma_start3A_636 = tpu.memref_slice %arg3[%add3A_634, %dma_start3A_635] : memref<320000x128xf32, #tpu.memory_space<hbm>> -> memref<200x128xf32, #tpu.memory_space<hbm>>
    %dma_start3A_637 = arith.constant 0 : i32
    %dma_start3A_638 = tpu.memref_slice %arg3[%add3A_634, %dma_start3A_637] : memref<320000x128xf32, #tpu.memory_space<hbm>> -> memref<200x128xf32, #tpu.memory_space<hbm>>
    tpu.enqueue_dma source(%arg4 : memref<200x128xf32, #tpu.memory_space<vmem>>) target(%dma_start3A_638 : memref<200x128xf32, #tpu.memory_space<hbm>>) target_semaphore(%arg5 : memref<!tpu.dma_semaphore, #tpu.memory_space<semaphore_mem>>)
    %dma_wait3A = arith.constant 0 : i32
    %dma_wait3A_639 = tpu.memref_slice %arg3[%add3A_341, %dma_wait3A] : memref<320000x128xf32, #tpu.memory_space<hbm>> -> memref<200x128xf32, #tpu.memory_space<hbm>>
    %dma_wait3A_640 = arith.constant 0 : i32
    %dma_wait3A_641 = tpu.memref_slice %arg3[%add3A_341, %dma_wait3A_640] : memref<320000x128xf32, #tpu.memory_space<hbm>> -> memref<200x128xf32, #tpu.memory_space<hbm>>
    tpu.wait_dma2 semaphore(%arg5 : memref<!tpu.dma_semaphore, #tpu.memory_space<semaphore_mem>>) src(%arg4 : memref<200x128xf32, #tpu.memory_space<vmem>>) dst(%dma_wait3A_641 : memref<200x128xf32, #tpu.memory_space<hbm>>)
    %dma_wait3A_642 = arith.constant 0 : i32
    %dma_wait3A_643 = tpu.memref_slice %arg3[%add3A_346, %dma_wait3A_642] : memref<320000x128xf32, #tpu.memory_space<hbm>> -> memref<200x128xf32, #tpu.memory_space<hbm>>
    %dma_wait3A_644 = arith.constant 0 : i32
    %dma_wait3A_645 = tpu.memref_slice %arg3[%add3A_346, %dma_wait3A_644] : memref<320000x128xf32, #tpu.memory_space<hbm>> -> memref<200x128xf32, #tpu.memory_space<hbm>>
    tpu.wait_dma2 semaphore(%arg5 : memref<!tpu.dma_semaphore, #tpu.memory_space<semaphore_mem>>) src(%arg4 : memref<200x128xf32, #tpu.memory_space<vmem>>) dst(%dma_wait3A_645 : memref<200x128xf32, #tpu.memory_space<hbm>>)
    %dma_wait3A_646 = arith.constant 0 : i32
    %dma_wait3A_647 = tpu.memref_slice %arg3[%add3A_352, %dma_wait3A_646] : memref<320000x128xf32, #tpu.memory_space<hbm>> -> memref<200x128xf32, #tpu.memory_space<hbm>>
    %dma_wait3A_648 = arith.constant 0 : i32
    %dma_wait3A_649 = tpu.memref_slice %arg3[%add3A_352, %dma_wait3A_648] : memref<320000x128xf32, #tpu.memory_space<hbm>> -> memref<200x128xf32, #tpu.memory_space<hbm>>
    tpu.wait_dma2 semaphore(%arg5 : memref<!tpu.dma_semaphore, #tpu.memory_space<semaphore_mem>>) src(%arg4 : memref<200x128xf32, #tpu.memory_space<vmem>>) dst(%dma_wait3A_649 : memref<200x128xf32, #tpu.memory_space<hbm>>)
    %dma_wait3A_650 = arith.constant 0 : i32
    %dma_wait3A_651 = tpu.memref_slice %arg3[%add3A_358, %dma_wait3A_650] : memref<320000x128xf32, #tpu.memory_space<hbm>> -> memref<200x128xf32, #tpu.memory_space<hbm>>
    %dma_wait3A_652 = arith.constant 0 : i32
    %dma_wait3A_653 = tpu.memref_slice %arg3[%add3A_358, %dma_wait3A_652] : memref<320000x128xf32, #tpu.memory_space<hbm>> -> memref<200x128xf32, #tpu.memory_space<hbm>>
    tpu.wait_dma2 semaphore(%arg5 : memref<!tpu.dma_semaphore, #tpu.memory_space<semaphore_mem>>) src(%arg4 : memref<200x128xf32, #tpu.memory_space<vmem>>) dst(%dma_wait3A_653 : memref<200x128xf32, #tpu.memory_space<hbm>>)
    %dma_wait3A_654 = arith.constant 0 : i32
    %dma_wait3A_655 = tpu.memref_slice %arg3[%add3A_364, %dma_wait3A_654] : memref<320000x128xf32, #tpu.memory_space<hbm>> -> memref<200x128xf32, #tpu.memory_space<hbm>>
    %dma_wait3A_656 = arith.constant 0 : i32
    %dma_wait3A_657 = tpu.memref_slice %arg3[%add3A_364, %dma_wait3A_656] : memref<320000x128xf32, #tpu.memory_space<hbm>> -> memref<200x128xf32, #tpu.memory_space<hbm>>
    tpu.wait_dma2 semaphore(%arg5 : memref<!tpu.dma_semaphore, #tpu.memory_space<semaphore_mem>>) src(%arg4 : memref<200x128xf32, #tpu.memory_space<vmem>>) dst(%dma_wait3A_657 : memref<200x128xf32, #tpu.memory_space<hbm>>)
    %dma_wait3A_658 = arith.constant 0 : i32
    %dma_wait3A_659 = tpu.memref_slice %arg3[%add3A_370, %dma_wait3A_658] : memref<320000x128xf32, #tpu.memory_space<hbm>> -> memref<200x128xf32, #tpu.memory_space<hbm>>
    %dma_wait3A_660 = arith.constant 0 : i32
    %dma_wait3A_661 = tpu.memref_slice %arg3[%add3A_370, %dma_wait3A_660] : memref<320000x128xf32, #tpu.memory_space<hbm>> -> memref<200x128xf32, #tpu.memory_space<hbm>>
    tpu.wait_dma2 semaphore(%arg5 : memref<!tpu.dma_semaphore, #tpu.memory_space<semaphore_mem>>) src(%arg4 : memref<200x128xf32, #tpu.memory_space<vmem>>) dst(%dma_wait3A_661 : memref<200x128xf32, #tpu.memory_space<hbm>>)
    %dma_wait3A_662 = arith.constant 0 : i32
    %dma_wait3A_663 = tpu.memref_slice %arg3[%add3A_376, %dma_wait3A_662] : memref<320000x128xf32, #tpu.memory_space<hbm>> -> memref<200x128xf32, #tpu.memory_space<hbm>>
    %dma_wait3A_664 = arith.constant 0 : i32
    %dma_wait3A_665 = tpu.memref_slice %arg3[%add3A_376, %dma_wait3A_664] : memref<320000x128xf32, #tpu.memory_space<hbm>> -> memref<200x128xf32, #tpu.memory_space<hbm>>
    tpu.wait_dma2 semaphore(%arg5 : memref<!tpu.dma_semaphore, #tpu.memory_space<semaphore_mem>>) src(%arg4 : memref<200x128xf32, #tpu.memory_space<vmem>>) dst(%dma_wait3A_665 : memref<200x128xf32, #tpu.memory_space<hbm>>)
    %dma_wait3A_666 = arith.constant 0 : i32
    %dma_wait3A_667 = tpu.memref_slice %arg3[%add3A_382, %dma_wait3A_666] : memref<320000x128xf32, #tpu.memory_space<hbm>> -> memref<200x128xf32, #tpu.memory_space<hbm>>
    %dma_wait3A_668 = arith.constant 0 : i32
    %dma_wait3A_669 = tpu.memref_slice %arg3[%add3A_382, %dma_wait3A_668] : memref<320000x128xf32, #tpu.memory_space<hbm>> -> memref<200x128xf32, #tpu.memory_space<hbm>>
    tpu.wait_dma2 semaphore(%arg5 : memref<!tpu.dma_semaphore, #tpu.memory_space<semaphore_mem>>) src(%arg4 : memref<200x128xf32, #tpu.memory_space<vmem>>) dst(%dma_wait3A_669 : memref<200x128xf32, #tpu.memory_space<hbm>>)
    %dma_wait3A_670 = arith.constant 0 : i32
    %dma_wait3A_671 = tpu.memref_slice %arg3[%add3A_388, %dma_wait3A_670] : memref<320000x128xf32, #tpu.memory_space<hbm>> -> memref<200x128xf32, #tpu.memory_space<hbm>>
    %dma_wait3A_672 = arith.constant 0 : i32
    %dma_wait3A_673 = tpu.memref_slice %arg3[%add3A_388, %dma_wait3A_672] : memref<320000x128xf32, #tpu.memory_space<hbm>> -> memref<200x128xf32, #tpu.memory_space<hbm>>
    tpu.wait_dma2 semaphore(%arg5 : memref<!tpu.dma_semaphore, #tpu.memory_space<semaphore_mem>>) src(%arg4 : memref<200x128xf32, #tpu.memory_space<vmem>>) dst(%dma_wait3A_673 : memref<200x128xf32, #tpu.memory_space<hbm>>)
    %dma_wait3A_674 = arith.constant 0 : i32
    %dma_wait3A_675 = tpu.memref_slice %arg3[%add3A_394, %dma_wait3A_674] : memref<320000x128xf32, #tpu.memory_space<hbm>> -> memref<200x128xf32, #tpu.memory_space<hbm>>
    %dma_wait3A_676 = arith.constant 0 : i32
    %dma_wait3A_677 = tpu.memref_slice %arg3[%add3A_394, %dma_wait3A_676] : memref<320000x128xf32, #tpu.memory_space<hbm>> -> memref<200x128xf32, #tpu.memory_space<hbm>>
    tpu.wait_dma2 semaphore(%arg5 : memref<!tpu.dma_semaphore, #tpu.memory_space<semaphore_mem>>) src(%arg4 : memref<200x128xf32, #tpu.memory_space<vmem>>) dst(%dma_wait3A_677 : memref<200x128xf32, #tpu.memory_space<hbm>>)
    %dma_wait3A_678 = arith.constant 0 : i32
    %dma_wait3A_679 = tpu.memref_slice %arg3[%add3A_400, %dma_wait3A_678] : memref<320000x128xf32, #tpu.memory_space<hbm>> -> memref<200x128xf32, #tpu.memory_space<hbm>>
    %dma_wait3A_680 = arith.constant 0 : i32
    %dma_wait3A_681 = tpu.memref_slice %arg3[%add3A_400, %dma_wait3A_680] : memref<320000x128xf32, #tpu.memory_space<hbm>> -> memref<200x128xf32, #tpu.memory_space<hbm>>
    tpu.wait_dma2 semaphore(%arg5 : memref<!tpu.dma_semaphore, #tpu.memory_space<semaphore_mem>>) src(%arg4 : memref<200x128xf32, #tpu.memory_space<vmem>>) dst(%dma_wait3A_681 : memref<200x128xf32, #tpu.memory_space<hbm>>)
    %dma_wait3A_682 = arith.constant 0 : i32
    %dma_wait3A_683 = tpu.memref_slice %arg3[%add3A_406, %dma_wait3A_682] : memref<320000x128xf32, #tpu.memory_space<hbm>> -> memref<200x128xf32, #tpu.memory_space<hbm>>
    %dma_wait3A_684 = arith.constant 0 : i32
    %dma_wait3A_685 = tpu.memref_slice %arg3[%add3A_406, %dma_wait3A_684] : memref<320000x128xf32, #tpu.memory_space<hbm>> -> memref<200x128xf32, #tpu.memory_space<hbm>>
    tpu.wait_dma2 semaphore(%arg5 : memref<!tpu.dma_semaphore, #tpu.memory_space<semaphore_mem>>) src(%arg4 : memref<200x128xf32, #tpu.memory_space<vmem>>) dst(%dma_wait3A_685 : memref<200x128xf32, #tpu.memory_space<hbm>>)
    %dma_wait3A_686 = arith.constant 0 : i32
    %dma_wait3A_687 = tpu.memref_slice %arg3[%add3A_412, %dma_wait3A_686] : memref<320000x128xf32, #tpu.memory_space<hbm>> -> memref<200x128xf32, #tpu.memory_space<hbm>>
    %dma_wait3A_688 = arith.constant 0 : i32
    %dma_wait3A_689 = tpu.memref_slice %arg3[%add3A_412, %dma_wait3A_688] : memref<320000x128xf32, #tpu.memory_space<hbm>> -> memref<200x128xf32, #tpu.memory_space<hbm>>
    tpu.wait_dma2 semaphore(%arg5 : memref<!tpu.dma_semaphore, #tpu.memory_space<semaphore_mem>>) src(%arg4 : memref<200x128xf32, #tpu.memory_space<vmem>>) dst(%dma_wait3A_689 : memref<200x128xf32, #tpu.memory_space<hbm>>)
    %dma_wait3A_690 = arith.constant 0 : i32
    %dma_wait3A_691 = tpu.memref_slice %arg3[%add3A_418, %dma_wait3A_690] : memref<320000x128xf32, #tpu.memory_space<hbm>> -> memref<200x128xf32, #tpu.memory_space<hbm>>
    %dma_wait3A_692 = arith.constant 0 : i32
    %dma_wait3A_693 = tpu.memref_slice %arg3[%add3A_418, %dma_wait3A_692] : memref<320000x128xf32, #tpu.memory_space<hbm>> -> memref<200x128xf32, #tpu.memory_space<hbm>>
    tpu.wait_dma2 semaphore(%arg5 : memref<!tpu.dma_semaphore, #tpu.memory_space<semaphore_mem>>) src(%arg4 : memref<200x128xf32, #tpu.memory_space<vmem>>) dst(%dma_wait3A_693 : memref<200x128xf32, #tpu.memory_space<hbm>>)
    %dma_wait3A_694 = arith.constant 0 : i32
    %dma_wait3A_695 = tpu.memref_slice %arg3[%add3A_424, %dma_wait3A_694] : memref<320000x128xf32, #tpu.memory_space<hbm>> -> memref<200x128xf32, #tpu.memory_space<hbm>>
    %dma_wait3A_696 = arith.constant 0 : i32
    %dma_wait3A_697 = tpu.memref_slice %arg3[%add3A_424, %dma_wait3A_696] : memref<320000x128xf32, #tpu.memory_space<hbm>> -> memref<200x128xf32, #tpu.memory_space<hbm>>
    tpu.wait_dma2 semaphore(%arg5 : memref<!tpu.dma_semaphore, #tpu.memory_space<semaphore_mem>>) src(%arg4 : memref<200x128xf32, #tpu.memory_space<vmem>>) dst(%dma_wait3A_697 : memref<200x128xf32, #tpu.memory_space<hbm>>)
    %dma_wait3A_698 = arith.constant 0 : i32
    %dma_wait3A_699 = tpu.memref_slice %arg3[%add3A_430, %dma_wait3A_698] : memref<320000x128xf32, #tpu.memory_space<hbm>> -> memref<200x128xf32, #tpu.memory_space<hbm>>
    %dma_wait3A_700 = arith.constant 0 : i32
    %dma_wait3A_701 = tpu.memref_slice %arg3[%add3A_430, %dma_wait3A_700] : memref<320000x128xf32, #tpu.memory_space<hbm>> -> memref<200x128xf32, #tpu.memory_space<hbm>>
    tpu.wait_dma2 semaphore(%arg5 : memref<!tpu.dma_semaphore, #tpu.memory_space<semaphore_mem>>) src(%arg4 : memref<200x128xf32, #tpu.memory_space<vmem>>) dst(%dma_wait3A_701 : memref<200x128xf32, #tpu.memory_space<hbm>>)
    %dma_wait3A_702 = arith.constant 0 : i32
    %dma_wait3A_703 = tpu.memref_slice %arg3[%add3A_436, %dma_wait3A_702] : memref<320000x128xf32, #tpu.memory_space<hbm>> -> memref<200x128xf32, #tpu.memory_space<hbm>>
    %dma_wait3A_704 = arith.constant 0 : i32
    %dma_wait3A_705 = tpu.memref_slice %arg3[%add3A_436, %dma_wait3A_704] : memref<320000x128xf32, #tpu.memory_space<hbm>> -> memref<200x128xf32, #tpu.memory_space<hbm>>
    tpu.wait_dma2 semaphore(%arg5 : memref<!tpu.dma_semaphore, #tpu.memory_space<semaphore_mem>>) src(%arg4 : memref<200x128xf32, #tpu.memory_space<vmem>>) dst(%dma_wait3A_705 : memref<200x128xf32, #tpu.memory_space<hbm>>)
    %dma_wait3A_706 = arith.constant 0 : i32
    %dma_wait3A_707 = tpu.memref_slice %arg3[%add3A_442, %dma_wait3A_706] : memref<320000x128xf32, #tpu.memory_space<hbm>> -> memref<200x128xf32, #tpu.memory_space<hbm>>
    %dma_wait3A_708 = arith.constant 0 : i32
    %dma_wait3A_709 = tpu.memref_slice %arg3[%add3A_442, %dma_wait3A_708] : memref<320000x128xf32, #tpu.memory_space<hbm>> -> memref<200x128xf32, #tpu.memory_space<hbm>>
    tpu.wait_dma2 semaphore(%arg5 : memref<!tpu.dma_semaphore, #tpu.memory_space<semaphore_mem>>) src(%arg4 : memref<200x128xf32, #tpu.memory_space<vmem>>) dst(%dma_wait3A_709 : memref<200x128xf32, #tpu.memory_space<hbm>>)
    %dma_wait3A_710 = arith.constant 0 : i32
    %dma_wait3A_711 = tpu.memref_slice %arg3[%add3A_448, %dma_wait3A_710] : memref<320000x128xf32, #tpu.memory_space<hbm>> -> memref<200x128xf32, #tpu.memory_space<hbm>>
    %dma_wait3A_712 = arith.constant 0 : i32
    %dma_wait3A_713 = tpu.memref_slice %arg3[%add3A_448, %dma_wait3A_712] : memref<320000x128xf32, #tpu.memory_space<hbm>> -> memref<200x128xf32, #tpu.memory_space<hbm>>
    tpu.wait_dma2 semaphore(%arg5 : memref<!tpu.dma_semaphore, #tpu.memory_space<semaphore_mem>>) src(%arg4 : memref<200x128xf32, #tpu.memory_space<vmem>>) dst(%dma_wait3A_713 : memref<200x128xf32, #tpu.memory_space<hbm>>)
    %dma_wait3A_714 = arith.constant 0 : i32
    %dma_wait3A_715 = tpu.memref_slice %arg3[%add3A_454, %dma_wait3A_714] : memref<320000x128xf32, #tpu.memory_space<hbm>> -> memref<200x128xf32, #tpu.memory_space<hbm>>
    %dma_wait3A_716 = arith.constant 0 : i32
    %dma_wait3A_717 = tpu.memref_slice %arg3[%add3A_454, %dma_wait3A_716] : memref<320000x128xf32, #tpu.memory_space<hbm>> -> memref<200x128xf32, #tpu.memory_space<hbm>>
    tpu.wait_dma2 semaphore(%arg5 : memref<!tpu.dma_semaphore, #tpu.memory_space<semaphore_mem>>) src(%arg4 : memref<200x128xf32, #tpu.memory_space<vmem>>) dst(%dma_wait3A_717 : memref<200x128xf32, #tpu.memory_space<hbm>>)
    %dma_wait3A_718 = arith.constant 0 : i32
    %dma_wait3A_719 = tpu.memref_slice %arg3[%add3A_460, %dma_wait3A_718] : memref<320000x128xf32, #tpu.memory_space<hbm>> -> memref<200x128xf32, #tpu.memory_space<hbm>>
    %dma_wait3A_720 = arith.constant 0 : i32
    %dma_wait3A_721 = tpu.memref_slice %arg3[%add3A_460, %dma_wait3A_720] : memref<320000x128xf32, #tpu.memory_space<hbm>> -> memref<200x128xf32, #tpu.memory_space<hbm>>
    tpu.wait_dma2 semaphore(%arg5 : memref<!tpu.dma_semaphore, #tpu.memory_space<semaphore_mem>>) src(%arg4 : memref<200x128xf32, #tpu.memory_space<vmem>>) dst(%dma_wait3A_721 : memref<200x128xf32, #tpu.memory_space<hbm>>)
    %dma_wait3A_722 = arith.constant 0 : i32
    %dma_wait3A_723 = tpu.memref_slice %arg3[%add3A_466, %dma_wait3A_722] : memref<320000x128xf32, #tpu.memory_space<hbm>> -> memref<200x128xf32, #tpu.memory_space<hbm>>
    %dma_wait3A_724 = arith.constant 0 : i32
    %dma_wait3A_725 = tpu.memref_slice %arg3[%add3A_466, %dma_wait3A_724] : memref<320000x128xf32, #tpu.memory_space<hbm>> -> memref<200x128xf32, #tpu.memory_space<hbm>>
    tpu.wait_dma2 semaphore(%arg5 : memref<!tpu.dma_semaphore, #tpu.memory_space<semaphore_mem>>) src(%arg4 : memref<200x128xf32, #tpu.memory_space<vmem>>) dst(%dma_wait3A_725 : memref<200x128xf32, #tpu.memory_space<hbm>>)
    %dma_wait3A_726 = arith.constant 0 : i32
    %dma_wait3A_727 = tpu.memref_slice %arg3[%add3A_472, %dma_wait3A_726] : memref<320000x128xf32, #tpu.memory_space<hbm>> -> memref<200x128xf32, #tpu.memory_space<hbm>>
    %dma_wait3A_728 = arith.constant 0 : i32
    %dma_wait3A_729 = tpu.memref_slice %arg3[%add3A_472, %dma_wait3A_728] : memref<320000x128xf32, #tpu.memory_space<hbm>> -> memref<200x128xf32, #tpu.memory_space<hbm>>
    tpu.wait_dma2 semaphore(%arg5 : memref<!tpu.dma_semaphore, #tpu.memory_space<semaphore_mem>>) src(%arg4 : memref<200x128xf32, #tpu.memory_space<vmem>>) dst(%dma_wait3A_729 : memref<200x128xf32, #tpu.memory_space<hbm>>)
    %dma_wait3A_730 = arith.constant 0 : i32
    %dma_wait3A_731 = tpu.memref_slice %arg3[%add3A_478, %dma_wait3A_730] : memref<320000x128xf32, #tpu.memory_space<hbm>> -> memref<200x128xf32, #tpu.memory_space<hbm>>
    %dma_wait3A_732 = arith.constant 0 : i32
    %dma_wait3A_733 = tpu.memref_slice %arg3[%add3A_478, %dma_wait3A_732] : memref<320000x128xf32, #tpu.memory_space<hbm>> -> memref<200x128xf32, #tpu.memory_space<hbm>>
    tpu.wait_dma2 semaphore(%arg5 : memref<!tpu.dma_semaphore, #tpu.memory_space<semaphore_mem>>) src(%arg4 : memref<200x128xf32, #tpu.memory_space<vmem>>) dst(%dma_wait3A_733 : memref<200x128xf32, #tpu.memory_space<hbm>>)
    %dma_wait3A_734 = arith.constant 0 : i32
    %dma_wait3A_735 = tpu.memref_slice %arg3[%add3A_484, %dma_wait3A_734] : memref<320000x128xf32, #tpu.memory_space<hbm>> -> memref<200x128xf32, #tpu.memory_space<hbm>>
    %dma_wait3A_736 = arith.constant 0 : i32
    %dma_wait3A_737 = tpu.memref_slice %arg3[%add3A_484, %dma_wait3A_736] : memref<320000x128xf32, #tpu.memory_space<hbm>> -> memref<200x128xf32, #tpu.memory_space<hbm>>
    tpu.wait_dma2 semaphore(%arg5 : memref<!tpu.dma_semaphore, #tpu.memory_space<semaphore_mem>>) src(%arg4 : memref<200x128xf32, #tpu.memory_space<vmem>>) dst(%dma_wait3A_737 : memref<200x128xf32, #tpu.memory_space<hbm>>)
    %dma_wait3A_738 = arith.constant 0 : i32
    %dma_wait3A_739 = tpu.memref_slice %arg3[%add3A_490, %dma_wait3A_738] : memref<320000x128xf32, #tpu.memory_space<hbm>> -> memref<200x128xf32, #tpu.memory_space<hbm>>
    %dma_wait3A_740 = arith.constant 0 : i32
    %dma_wait3A_741 = tpu.memref_slice %arg3[%add3A_490, %dma_wait3A_740] : memref<320000x128xf32, #tpu.memory_space<hbm>> -> memref<200x128xf32, #tpu.memory_space<hbm>>
    tpu.wait_dma2 semaphore(%arg5 : memref<!tpu.dma_semaphore, #tpu.memory_space<semaphore_mem>>) src(%arg4 : memref<200x128xf32, #tpu.memory_space<vmem>>) dst(%dma_wait3A_741 : memref<200x128xf32, #tpu.memory_space<hbm>>)
    %dma_wait3A_742 = arith.constant 0 : i32
    %dma_wait3A_743 = tpu.memref_slice %arg3[%add3A_496, %dma_wait3A_742] : memref<320000x128xf32, #tpu.memory_space<hbm>> -> memref<200x128xf32, #tpu.memory_space<hbm>>
    %dma_wait3A_744 = arith.constant 0 : i32
    %dma_wait3A_745 = tpu.memref_slice %arg3[%add3A_496, %dma_wait3A_744] : memref<320000x128xf32, #tpu.memory_space<hbm>> -> memref<200x128xf32, #tpu.memory_space<hbm>>
    tpu.wait_dma2 semaphore(%arg5 : memref<!tpu.dma_semaphore, #tpu.memory_space<semaphore_mem>>) src(%arg4 : memref<200x128xf32, #tpu.memory_space<vmem>>) dst(%dma_wait3A_745 : memref<200x128xf32, #tpu.memory_space<hbm>>)
    %dma_wait3A_746 = arith.constant 0 : i32
    %dma_wait3A_747 = tpu.memref_slice %arg3[%add3A_502, %dma_wait3A_746] : memref<320000x128xf32, #tpu.memory_space<hbm>> -> memref<200x128xf32, #tpu.memory_space<hbm>>
    %dma_wait3A_748 = arith.constant 0 : i32
    %dma_wait3A_749 = tpu.memref_slice %arg3[%add3A_502, %dma_wait3A_748] : memref<320000x128xf32, #tpu.memory_space<hbm>> -> memref<200x128xf32, #tpu.memory_space<hbm>>
    tpu.wait_dma2 semaphore(%arg5 : memref<!tpu.dma_semaphore, #tpu.memory_space<semaphore_mem>>) src(%arg4 : memref<200x128xf32, #tpu.memory_space<vmem>>) dst(%dma_wait3A_749 : memref<200x128xf32, #tpu.memory_space<hbm>>)
    %dma_wait3A_750 = arith.constant 0 : i32
    %dma_wait3A_751 = tpu.memref_slice %arg3[%add3A_508, %dma_wait3A_750] : memref<320000x128xf32, #tpu.memory_space<hbm>> -> memref<200x128xf32, #tpu.memory_space<hbm>>
    %dma_wait3A_752 = arith.constant 0 : i32
    %dma_wait3A_753 = tpu.memref_slice %arg3[%add3A_508, %dma_wait3A_752] : memref<320000x128xf32, #tpu.memory_space<hbm>> -> memref<200x128xf32, #tpu.memory_space<hbm>>
    tpu.wait_dma2 semaphore(%arg5 : memref<!tpu.dma_semaphore, #tpu.memory_space<semaphore_mem>>) src(%arg4 : memref<200x128xf32, #tpu.memory_space<vmem>>) dst(%dma_wait3A_753 : memref<200x128xf32, #tpu.memory_space<hbm>>)
    %dma_wait3A_754 = arith.constant 0 : i32
    %dma_wait3A_755 = tpu.memref_slice %arg3[%add3A_514, %dma_wait3A_754] : memref<320000x128xf32, #tpu.memory_space<hbm>> -> memref<200x128xf32, #tpu.memory_space<hbm>>
    %dma_wait3A_756 = arith.constant 0 : i32
    %dma_wait3A_757 = tpu.memref_slice %arg3[%add3A_514, %dma_wait3A_756] : memref<320000x128xf32, #tpu.memory_space<hbm>> -> memref<200x128xf32, #tpu.memory_space<hbm>>
    tpu.wait_dma2 semaphore(%arg5 : memref<!tpu.dma_semaphore, #tpu.memory_space<semaphore_mem>>) src(%arg4 : memref<200x128xf32, #tpu.memory_space<vmem>>) dst(%dma_wait3A_757 : memref<200x128xf32, #tpu.memory_space<hbm>>)
    %dma_wait3A_758 = arith.constant 0 : i32
    %dma_wait3A_759 = tpu.memref_slice %arg3[%add3A_520, %dma_wait3A_758] : memref<320000x128xf32, #tpu.memory_space<hbm>> -> memref<200x128xf32, #tpu.memory_space<hbm>>
    %dma_wait3A_760 = arith.constant 0 : i32
    %dma_wait3A_761 = tpu.memref_slice %arg3[%add3A_520, %dma_wait3A_760] : memref<320000x128xf32, #tpu.memory_space<hbm>> -> memref<200x128xf32, #tpu.memory_space<hbm>>
    tpu.wait_dma2 semaphore(%arg5 : memref<!tpu.dma_semaphore, #tpu.memory_space<semaphore_mem>>) src(%arg4 : memref<200x128xf32, #tpu.memory_space<vmem>>) dst(%dma_wait3A_761 : memref<200x128xf32, #tpu.memory_space<hbm>>)
    %dma_wait3A_762 = arith.constant 0 : i32
    %dma_wait3A_763 = tpu.memref_slice %arg3[%add3A_526, %dma_wait3A_762] : memref<320000x128xf32, #tpu.memory_space<hbm>> -> memref<200x128xf32, #tpu.memory_space<hbm>>
    %dma_wait3A_764 = arith.constant 0 : i32
    %dma_wait3A_765 = tpu.memref_slice %arg3[%add3A_526, %dma_wait3A_764] : memref<320000x128xf32, #tpu.memory_space<hbm>> -> memref<200x128xf32, #tpu.memory_space<hbm>>
    tpu.wait_dma2 semaphore(%arg5 : memref<!tpu.dma_semaphore, #tpu.memory_space<semaphore_mem>>) src(%arg4 : memref<200x128xf32, #tpu.memory_space<vmem>>) dst(%dma_wait3A_765 : memref<200x128xf32, #tpu.memory_space<hbm>>)
    %dma_wait3A_766 = arith.constant 0 : i32
    %dma_wait3A_767 = tpu.memref_slice %arg3[%add3A_532, %dma_wait3A_766] : memref<320000x128xf32, #tpu.memory_space<hbm>> -> memref<200x128xf32, #tpu.memory_space<hbm>>
    %dma_wait3A_768 = arith.constant 0 : i32
    %dma_wait3A_769 = tpu.memref_slice %arg3[%add3A_532, %dma_wait3A_768] : memref<320000x128xf32, #tpu.memory_space<hbm>> -> memref<200x128xf32, #tpu.memory_space<hbm>>
    tpu.wait_dma2 semaphore(%arg5 : memref<!tpu.dma_semaphore, #tpu.memory_space<semaphore_mem>>) src(%arg4 : memref<200x128xf32, #tpu.memory_space<vmem>>) dst(%dma_wait3A_769 : memref<200x128xf32, #tpu.memory_space<hbm>>)
    %dma_wait3A_770 = arith.constant 0 : i32
    %dma_wait3A_771 = tpu.memref_slice %arg3[%add3A_538, %dma_wait3A_770] : memref<320000x128xf32, #tpu.memory_space<hbm>> -> memref<200x128xf32, #tpu.memory_space<hbm>>
    %dma_wait3A_772 = arith.constant 0 : i32
    %dma_wait3A_773 = tpu.memref_slice %arg3[%add3A_538, %dma_wait3A_772] : memref<320000x128xf32, #tpu.memory_space<hbm>> -> memref<200x128xf32, #tpu.memory_space<hbm>>
    tpu.wait_dma2 semaphore(%arg5 : memref<!tpu.dma_semaphore, #tpu.memory_space<semaphore_mem>>) src(%arg4 : memref<200x128xf32, #tpu.memory_space<vmem>>) dst(%dma_wait3A_773 : memref<200x128xf32, #tpu.memory_space<hbm>>)
    %dma_wait3A_774 = arith.constant 0 : i32
    %dma_wait3A_775 = tpu.memref_slice %arg3[%add3A_544, %dma_wait3A_774] : memref<320000x128xf32, #tpu.memory_space<hbm>> -> memref<200x128xf32, #tpu.memory_space<hbm>>
    %dma_wait3A_776 = arith.constant 0 : i32
    %dma_wait3A_777 = tpu.memref_slice %arg3[%add3A_544, %dma_wait3A_776] : memref<320000x128xf32, #tpu.memory_space<hbm>> -> memref<200x128xf32, #tpu.memory_space<hbm>>
    tpu.wait_dma2 semaphore(%arg5 : memref<!tpu.dma_semaphore, #tpu.memory_space<semaphore_mem>>) src(%arg4 : memref<200x128xf32, #tpu.memory_space<vmem>>) dst(%dma_wait3A_777 : memref<200x128xf32, #tpu.memory_space<hbm>>)
    %dma_wait3A_778 = arith.constant 0 : i32
    %dma_wait3A_779 = tpu.memref_slice %arg3[%add3A_550, %dma_wait3A_778] : memref<320000x128xf32, #tpu.memory_space<hbm>> -> memref<200x128xf32, #tpu.memory_space<hbm>>
    %dma_wait3A_780 = arith.constant 0 : i32
    %dma_wait3A_781 = tpu.memref_slice %arg3[%add3A_550, %dma_wait3A_780] : memref<320000x128xf32, #tpu.memory_space<hbm>> -> memref<200x128xf32, #tpu.memory_space<hbm>>
    tpu.wait_dma2 semaphore(%arg5 : memref<!tpu.dma_semaphore, #tpu.memory_space<semaphore_mem>>) src(%arg4 : memref<200x128xf32, #tpu.memory_space<vmem>>) dst(%dma_wait3A_781 : memref<200x128xf32, #tpu.memory_space<hbm>>)
    %dma_wait3A_782 = arith.constant 0 : i32
    %dma_wait3A_783 = tpu.memref_slice %arg3[%add3A_556, %dma_wait3A_782] : memref<320000x128xf32, #tpu.memory_space<hbm>> -> memref<200x128xf32, #tpu.memory_space<hbm>>
    %dma_wait3A_784 = arith.constant 0 : i32
    %dma_wait3A_785 = tpu.memref_slice %arg3[%add3A_556, %dma_wait3A_784] : memref<320000x128xf32, #tpu.memory_space<hbm>> -> memref<200x128xf32, #tpu.memory_space<hbm>>
    tpu.wait_dma2 semaphore(%arg5 : memref<!tpu.dma_semaphore, #tpu.memory_space<semaphore_mem>>) src(%arg4 : memref<200x128xf32, #tpu.memory_space<vmem>>) dst(%dma_wait3A_785 : memref<200x128xf32, #tpu.memory_space<hbm>>)
    %dma_wait3A_786 = arith.constant 0 : i32
    %dma_wait3A_787 = tpu.memref_slice %arg3[%add3A_562, %dma_wait3A_786] : memref<320000x128xf32, #tpu.memory_space<hbm>> -> memref<200x128xf32, #tpu.memory_space<hbm>>
    %dma_wait3A_788 = arith.constant 0 : i32
    %dma_wait3A_789 = tpu.memref_slice %arg3[%add3A_562, %dma_wait3A_788] : memref<320000x128xf32, #tpu.memory_space<hbm>> -> memref<200x128xf32, #tpu.memory_space<hbm>>
    tpu.wait_dma2 semaphore(%arg5 : memref<!tpu.dma_semaphore, #tpu.memory_space<semaphore_mem>>) src(%arg4 : memref<200x128xf32, #tpu.memory_space<vmem>>) dst(%dma_wait3A_789 : memref<200x128xf32, #tpu.memory_space<hbm>>)
    %dma_wait3A_790 = arith.constant 0 : i32
    %dma_wait3A_791 = tpu.memref_slice %arg3[%add3A_568, %dma_wait3A_790] : memref<320000x128xf32, #tpu.memory_space<hbm>> -> memref<200x128xf32, #tpu.memory_space<hbm>>
    %dma_wait3A_792 = arith.constant 0 : i32
    %dma_wait3A_793 = tpu.memref_slice %arg3[%add3A_568, %dma_wait3A_792] : memref<320000x128xf32, #tpu.memory_space<hbm>> -> memref<200x128xf32, #tpu.memory_space<hbm>>
    tpu.wait_dma2 semaphore(%arg5 : memref<!tpu.dma_semaphore, #tpu.memory_space<semaphore_mem>>) src(%arg4 : memref<200x128xf32, #tpu.memory_space<vmem>>) dst(%dma_wait3A_793 : memref<200x128xf32, #tpu.memory_space<hbm>>)
    %dma_wait3A_794 = arith.constant 0 : i32
    %dma_wait3A_795 = tpu.memref_slice %arg3[%add3A_574, %dma_wait3A_794] : memref<320000x128xf32, #tpu.memory_space<hbm>> -> memref<200x128xf32, #tpu.memory_space<hbm>>
    %dma_wait3A_796 = arith.constant 0 : i32
    %dma_wait3A_797 = tpu.memref_slice %arg3[%add3A_574, %dma_wait3A_796] : memref<320000x128xf32, #tpu.memory_space<hbm>> -> memref<200x128xf32, #tpu.memory_space<hbm>>
    tpu.wait_dma2 semaphore(%arg5 : memref<!tpu.dma_semaphore, #tpu.memory_space<semaphore_mem>>) src(%arg4 : memref<200x128xf32, #tpu.memory_space<vmem>>) dst(%dma_wait3A_797 : memref<200x128xf32, #tpu.memory_space<hbm>>)
    %dma_wait3A_798 = arith.constant 0 : i32
    %dma_wait3A_799 = tpu.memref_slice %arg3[%add3A_580, %dma_wait3A_798] : memref<320000x128xf32, #tpu.memory_space<hbm>> -> memref<200x128xf32, #tpu.memory_space<hbm>>
    %dma_wait3A_800 = arith.constant 0 : i32
    %dma_wait3A_801 = tpu.memref_slice %arg3[%add3A_580, %dma_wait3A_800] : memref<320000x128xf32, #tpu.memory_space<hbm>> -> memref<200x128xf32, #tpu.memory_space<hbm>>
    tpu.wait_dma2 semaphore(%arg5 : memref<!tpu.dma_semaphore, #tpu.memory_space<semaphore_mem>>) src(%arg4 : memref<200x128xf32, #tpu.memory_space<vmem>>) dst(%dma_wait3A_801 : memref<200x128xf32, #tpu.memory_space<hbm>>)
    %dma_wait3A_802 = arith.constant 0 : i32
    %dma_wait3A_803 = tpu.memref_slice %arg3[%add3A_586, %dma_wait3A_802] : memref<320000x128xf32, #tpu.memory_space<hbm>> -> memref<200x128xf32, #tpu.memory_space<hbm>>
    %dma_wait3A_804 = arith.constant 0 : i32
    %dma_wait3A_805 = tpu.memref_slice %arg3[%add3A_586, %dma_wait3A_804] : memref<320000x128xf32, #tpu.memory_space<hbm>> -> memref<200x128xf32, #tpu.memory_space<hbm>>
    tpu.wait_dma2 semaphore(%arg5 : memref<!tpu.dma_semaphore, #tpu.memory_space<semaphore_mem>>) src(%arg4 : memref<200x128xf32, #tpu.memory_space<vmem>>) dst(%dma_wait3A_805 : memref<200x128xf32, #tpu.memory_space<hbm>>)
    %dma_wait3A_806 = arith.constant 0 : i32
    %dma_wait3A_807 = tpu.memref_slice %arg3[%add3A_592, %dma_wait3A_806] : memref<320000x128xf32, #tpu.memory_space<hbm>> -> memref<200x128xf32, #tpu.memory_space<hbm>>
    %dma_wait3A_808 = arith.constant 0 : i32
    %dma_wait3A_809 = tpu.memref_slice %arg3[%add3A_592, %dma_wait3A_808] : memref<320000x128xf32, #tpu.memory_space<hbm>> -> memref<200x128xf32, #tpu.memory_space<hbm>>
    tpu.wait_dma2 semaphore(%arg5 : memref<!tpu.dma_semaphore, #tpu.memory_space<semaphore_mem>>) src(%arg4 : memref<200x128xf32, #tpu.memory_space<vmem>>) dst(%dma_wait3A_809 : memref<200x128xf32, #tpu.memory_space<hbm>>)
    %dma_wait3A_810 = arith.constant 0 : i32
    %dma_wait3A_811 = tpu.memref_slice %arg3[%add3A_598, %dma_wait3A_810] : memref<320000x128xf32, #tpu.memory_space<hbm>> -> memref<200x128xf32, #tpu.memory_space<hbm>>
    %dma_wait3A_812 = arith.constant 0 : i32
    %dma_wait3A_813 = tpu.memref_slice %arg3[%add3A_598, %dma_wait3A_812] : memref<320000x128xf32, #tpu.memory_space<hbm>> -> memref<200x128xf32, #tpu.memory_space<hbm>>
    tpu.wait_dma2 semaphore(%arg5 : memref<!tpu.dma_semaphore, #tpu.memory_space<semaphore_mem>>) src(%arg4 : memref<200x128xf32, #tpu.memory_space<vmem>>) dst(%dma_wait3A_813 : memref<200x128xf32, #tpu.memory_space<hbm>>)
    %dma_wait3A_814 = arith.constant 0 : i32
    %dma_wait3A_815 = tpu.memref_slice %arg3[%add3A_604, %dma_wait3A_814] : memref<320000x128xf32, #tpu.memory_space<hbm>> -> memref<200x128xf32, #tpu.memory_space<hbm>>
    %dma_wait3A_816 = arith.constant 0 : i32
    %dma_wait3A_817 = tpu.memref_slice %arg3[%add3A_604, %dma_wait3A_816] : memref<320000x128xf32, #tpu.memory_space<hbm>> -> memref<200x128xf32, #tpu.memory_space<hbm>>
    tpu.wait_dma2 semaphore(%arg5 : memref<!tpu.dma_semaphore, #tpu.memory_space<semaphore_mem>>) src(%arg4 : memref<200x128xf32, #tpu.memory_space<vmem>>) dst(%dma_wait3A_817 : memref<200x128xf32, #tpu.memory_space<hbm>>)
    %dma_wait3A_818 = arith.constant 0 : i32
    %dma_wait3A_819 = tpu.memref_slice %arg3[%add3A_610, %dma_wait3A_818] : memref<320000x128xf32, #tpu.memory_space<hbm>> -> memref<200x128xf32, #tpu.memory_space<hbm>>
    %dma_wait3A_820 = arith.constant 0 : i32
    %dma_wait3A_821 = tpu.memref_slice %arg3[%add3A_610, %dma_wait3A_820] : memref<320000x128xf32, #tpu.memory_space<hbm>> -> memref<200x128xf32, #tpu.memory_space<hbm>>
    tpu.wait_dma2 semaphore(%arg5 : memref<!tpu.dma_semaphore, #tpu.memory_space<semaphore_mem>>) src(%arg4 : memref<200x128xf32, #tpu.memory_space<vmem>>) dst(%dma_wait3A_821 : memref<200x128xf32, #tpu.memory_space<hbm>>)
    %dma_wait3A_822 = arith.constant 0 : i32
    %dma_wait3A_823 = tpu.memref_slice %arg3[%add3A_616, %dma_wait3A_822] : memref<320000x128xf32, #tpu.memory_space<hbm>> -> memref<200x128xf32, #tpu.memory_space<hbm>>
    %dma_wait3A_824 = arith.constant 0 : i32
    %dma_wait3A_825 = tpu.memref_slice %arg3[%add3A_616, %dma_wait3A_824] : memref<320000x128xf32, #tpu.memory_space<hbm>> -> memref<200x128xf32, #tpu.memory_space<hbm>>
    tpu.wait_dma2 semaphore(%arg5 : memref<!tpu.dma_semaphore, #tpu.memory_space<semaphore_mem>>) src(%arg4 : memref<200x128xf32, #tpu.memory_space<vmem>>) dst(%dma_wait3A_825 : memref<200x128xf32, #tpu.memory_space<hbm>>)
    %dma_wait3A_826 = arith.constant 0 : i32
    %dma_wait3A_827 = tpu.memref_slice %arg3[%add3A_622, %dma_wait3A_826] : memref<320000x128xf32, #tpu.memory_space<hbm>> -> memref<200x128xf32, #tpu.memory_space<hbm>>
    %dma_wait3A_828 = arith.constant 0 : i32
    %dma_wait3A_829 = tpu.memref_slice %arg3[%add3A_622, %dma_wait3A_828] : memref<320000x128xf32, #tpu.memory_space<hbm>> -> memref<200x128xf32, #tpu.memory_space<hbm>>
    tpu.wait_dma2 semaphore(%arg5 : memref<!tpu.dma_semaphore, #tpu.memory_space<semaphore_mem>>) src(%arg4 : memref<200x128xf32, #tpu.memory_space<vmem>>) dst(%dma_wait3A_829 : memref<200x128xf32, #tpu.memory_space<hbm>>)
    %dma_wait3A_830 = arith.constant 0 : i32
    %dma_wait3A_831 = tpu.memref_slice %arg3[%add3A_628, %dma_wait3A_830] : memref<320000x128xf32, #tpu.memory_space<hbm>> -> memref<200x128xf32, #tpu.memory_space<hbm>>
    %dma_wait3A_832 = arith.constant 0 : i32
    %dma_wait3A_833 = tpu.memref_slice %arg3[%add3A_628, %dma_wait3A_832] : memref<320000x128xf32, #tpu.memory_space<hbm>> -> memref<200x128xf32, #tpu.memory_space<hbm>>
    tpu.wait_dma2 semaphore(%arg5 : memref<!tpu.dma_semaphore, #tpu.memory_space<semaphore_mem>>) src(%arg4 : memref<200x128xf32, #tpu.memory_space<vmem>>) dst(%dma_wait3A_833 : memref<200x128xf32, #tpu.memory_space<hbm>>)
    %dma_wait3A_834 = arith.constant 0 : i32
    %dma_wait3A_835 = tpu.memref_slice %arg3[%add3A_634, %dma_wait3A_834] : memref<320000x128xf32, #tpu.memory_space<hbm>> -> memref<200x128xf32, #tpu.memory_space<hbm>>
    %dma_wait3A_836 = arith.constant 0 : i32
    %dma_wait3A_837 = tpu.memref_slice %arg3[%add3A_634, %dma_wait3A_836] : memref<320000x128xf32, #tpu.memory_space<hbm>> -> memref<200x128xf32, #tpu.memory_space<hbm>>
    tpu.wait_dma2 semaphore(%arg5 : memref<!tpu.dma_semaphore, #tpu.memory_space<semaphore_mem>>) src(%arg4 : memref<200x128xf32, #tpu.memory_space<vmem>>) dst(%dma_wait3A_837 : memref<200x128xf32, #tpu.memory_space<hbm>>)
    return
  }
}

</mosaic_0001>

<sc_bundles>
// kernel: kernel.3.cloned.1.call-start
scs
__scs_entry_jumppad:
0x0: {  	(pc) =	sbr.rel $0x88, $3  }
0x1: {  	(tag) =	ssettag $0x0;
	lr =	simm.s32 $0x1  }
0x2: {  	[smem:$0x3FA0] =	sst lr;
	_ =	strace $0xD0000000  }
0x3: {  	_ = 	snop  }
0x4: {  	_ = 	snop  }
0x5: {  	_ = 	snop  }
0x6: {  	_ = 	snop  }
0x7: {  	_ = 	snop  }
__scs_overlays_trampoline_lowered:
0x8: {  	[smem:$0x3FAF] =	sst s0  }
0x9: {  	[smem:$0x3FB0] =	sst s1  }
0xa: {  	[smem:$0x3FB1] =	sst s2  }
0xb: {  	[smem:$0x3FB2] =	sst s3  }
0xc: {  	[smem:$0x3FB3] =	sst s4  }
0xd: {  	[smem:$0x3FB4] =	sst s5  }
0xe: {  	[smem:$0x3FB5] =	sst s6  }
0xf: {  	[smem:$0x3FB6] =	sst s7  }
0x10: {  	[smem:$0x3FB7] =	sst s8  }
0x11: {  	[smem:$0x3FB8] =	sst s9;
	s0 =	simm.s32 @!p0 $0x0  }
0x12: {  	s1 =	sld [smem:$0x3F9E];
	s0 =	simm.s32 @p0 $0x1  }
0x13: {  	[smem:$0x3FB9] =	sst s0;
	s0 =	simm.s32 @!p1 $0x0  }
0x14: {  	s2 =	sld [smem:$0x3F9D];
	s0 =	simm.s32 @p1 $0x1  }
0x15: {  	[smem:$0x3FBA] =	sst s0;
	s0 =	simm.s32 @!p2 $0x0  }
0x16: {  	s3 =	sld [smem:$0x3FDB];
	s0 =	simm.s32 @p2 $0x1  }
0x17: {  	s4 =	simm.s32 $0x1BF5;
	[smem:$0x3FBC] =	sst s0  }
0x18: {  	s0 =	sld [smem:$0x3F9F];
	_ =	swait.ge [sflag:s4], $0x0  }
0x19: {  	s7 =	sld [smem:$0x3FA0]  }
0x1a: {  	s8 =	sadd.s32 $0xFFFFE003, lr  }
0x1b: {  	s9 =	sadd.s32 $0xFFFFFEF7, lr;
	s5 =	simm.s32 $0xFFFFFFFF;
	p2 =	slt.u32 s8, $0xFFFFF086  }
0x1c: {  	p1 =	slt.u32 s9, $0xF7A;
	s5 =	simm.s32 @!p2 $0x0  }
0x1d: {  	s5 =	simm.s32 @p1 $0x1;
	p0 =	seq.s32 s7, s2  }
0x1e: {  	s7 =	smul.u32 @!p0 $0xF7A, s2;
	p2 =	seq.s32 @!p0 s5, $0x0  }
0x1f: {  	s9 =	smul.u32 $0xF7A, s1;
	s8 =	simm.s32 @!p0 $0x1BF5;
	p2 =	por !p2, p0  }
0x20: {  	[sflag:s8] =	ssyncset.s32 @!p0 $0xFFFFF086;
	s6 =	sadd.s32 @!p0 s3, s7;
	s7 =	simm.s32 @!p0 $0x108  }
0x21: {  	s3 =	sadd.s32 s3, s9;
	s6 =	sadd.s32 @!p0 $0x88, s6;
	s7 =	simm.s32 @p2 $0x1082  }
0x22: {  	[simem:s7], [sflag:s8] =	dma.local @!p0 [hbm:s6], $0xF7A  }
0x23: {  	s9 =	sor.u32 $0xD0000000, s2;
	s6 =	simm.s32 $0x108;
	_ =	swait.ge @!p0 [sflag:s8], $0x0  }
0x24: {  	s3 =	sadd.s32 $0x88, s3;
	s6 =	simm.s32 @!p1 $0x1082;
	[sflag:s4] =	ssyncset.s32 $0xFFFFF086  }
0x25: {  	[simem:s6], [sflag:s4] =	dma.local [hbm:s3], $0xF7A  }
0x26: {  	[smem:$0x3FA0] =	sst s1;
	(tag) =	ssettag s2;
	_ =	strace s9  }
0x27: {  	s1 =	sld [smem:$0x3FB0]  }
0x28: {  	s2 =	sld [smem:$0x3FB1]  }
0x29: {  	s4 =	sld [smem:$0x3FB3]  }
0x2a: {  	p0 =	seq.s32 s5, $0x0;
	s5 =	sld [smem:$0x3FB4]  }
0x2b: {  	s6 =	sld [smem:$0x3FB5]  }
0x2c: {  	s7 =	sld [smem:$0x3FB6]  }
0x2d: {  	s3 =	simm.s32 $0x108;
	s8 =	sld [smem:$0x3FB7]  }
0x2e: {  	s3 =	simm.s32 @!p0 $0x1082;
	s9 =	sld [smem:$0x3FB8]  }
0x2f: {  	lr =	sadd.s32 s0, s3;
	s0 =	sld [smem:$0x3FAF]  }
0x30: {  	s3 =	sld [smem:$0x3FB2]  }
0x31: {  	[smem:$0x3FBB] =	sst s10  }
0x32: {  	s10 =	sld [smem:$0x3FB9];
	_ =	sdelay $0x3  }
0x33: {  	p0 =	seq.s32 s10, $0x1;
	s10 =	sld [smem:$0x3FBB];
	_ =	sdelay $0x3  }
0x34: {  	[smem:$0x3FBB] =	sst s10  }
0x35: {  	s10 =	sld [smem:$0x3FBA];
	_ =	sdelay $0x3  }
0x36: {  	p1 =	seq.s32 s10, $0x1;
	s10 =	sld [smem:$0x3FBB];
	_ =	sdelay $0x3  }
0x37: {  	[smem:$0x3FBB] =	sst s10  }
0x38: {  	s10 =	sld [smem:$0x3FBC]  }
0x39: {  	_ = 	snop;
	(pc) =	sbr.ind lr, $3  }
0x3a: {  	_ = 	snop  }
0x3b: {  	_ = 	snop  }
0x3c: {  	p2 =	seq.s32 s10, $0x1;
	s10 =	sld [smem:$0x3FBB]  }
0x3d: {  	_ =	shalt  }
0x3e: {  	_ =	shalt  }
0x3f: {  	_ =	shalt  }
0x40: {  	_ =	shalt  }
0x41: {  	_ =	shalt  }
0x42: {  	_ =	shalt  }
0x43: {  	_ =	shalt  }
0x44: {  	_ =	shalt  }
0x45: {  	_ =	shalt  }
0x46: {  	_ =	shalt  }
0x47: {  	_ =	shalt  }
0x48: {  	_ =	shalt  }
0x49: {  	_ =	shalt  }
0x4a: {  	_ =	shalt  }
0x4b: {  	_ =	shalt  }
0x4c: {  	_ =	shalt  }
0x4d: {  	_ =	shalt  }
0x4e: {  	_ =	shalt  }
0x4f: {  	_ =	shalt  }
0x50: {  	_ =	shalt  }
0x51: {  	_ =	shalt  }
0x52: {  	_ =	shalt  }
0x53: {  	_ =	shalt  }
0x54: {  	_ =	shalt  }
0x55: {  	_ =	shalt  }
0x56: {  	_ =	shalt  }
0x57: {  	_ =	shalt  }
0x58: {  	_ =	shalt  }
0x59: {  	_ =	shalt  }
0x5a: {  	_ =	shalt  }
0x5b: {  	_ =	shalt  }
0x5c: {  	_ =	shalt  }
0x5d: {  	_ =	shalt  }
0x5e: {  	_ =	shalt  }
0x5f: {  	_ =	shalt  }
0x60: {  	_ =	shalt  }
0x61: {  	_ =	shalt  }
0x62: {  	_ =	shalt  }
0x63: {  	_ =	shalt  }
0x64: {  	_ =	shalt  }
0x65: {  	_ =	shalt  }
0x66: {  	_ =	shalt  }
0x67: {  	_ =	shalt  }
0x68: {  	_ =	shalt  }
0x69: {  	_ =	shalt  }
0x6a: {  	_ =	shalt  }
0x6b: {  	_ =	shalt  }
0x6c: {  	_ =	shalt  }
0x6d: {  	_ =	shalt  }
0x6e: {  	_ =	shalt  }
0x6f: {  	_ =	shalt  }
0x70: {  	_ =	shalt  }
0x71: {  	_ =	shalt  }
0x72: {  	_ =	shalt  }
0x73: {  	_ =	shalt  }
0x74: {  	_ =	shalt  }
0x75: {  	_ =	shalt  }
0x76: {  	_ =	shalt  }
0x77: {  	_ =	shalt  }
0x78: {  	_ =	shalt  }
0x79: {  	_ =	shalt  }
0x7a: {  	_ =	shalt  }
0x7b: {  	_ =	shalt  }
0x7c: {  	_ =	shalt  }
0x7d: {  	_ =	shalt  }
0x7e: {  	_ =	shalt  }
0x7f: {  	_ =	shalt  }
0x80: {  	_ =	shalt  }
0x81: {  	_ =	shalt  }
0x82: {  	_ =	shalt  }
0x83: {  	_ =	shalt  }
0x84: {  	_ =	shalt  }
0x85: {  	_ =	shalt  }
0x86: {  	_ =	shalt  }
0x87: {  	_ =	shalt  }
.Lfunc_end0:
.L_simem_size_0:
called_computation_lowered:
.L_overlay_start_0:
0x88: {  	s2 =	sld [smem:$0x3FD9]  }
0x89: {  	s3 =	sld [smem:$0x3FFE];
	_ =	sdelay $0x1  }
0x8a: {  	s1 =	srdreg.scid  }
0x8b: {  	s0 =	sand.u32 $0x1, s1  }
0x8c: {  	s18 =	sshll.u32 s0, $0xA;
	s2 =	sadd.s32 s3, s2  }
0x8d: {  	s2 =	sadd.s32 s2, s18  }
0x8e: {  	[smem:$0x3FC7] =	sst s2  }
0x8f: {  	_ = 	snop  }
0x90: {  	s2 =	sld [smem:$0x3FC9]  }
0x91: {  	s19 =	sld [smem:$0x3FD0];
	(tm) =	ssettm $0x1  }
0x92: {  	s4 =	sld [smem:$0x3FFB];
	_ =	sdelay $0x3  }
0x93: {  	_ =	strace s4  }
0x94: {  	s4 =	sld [smem:$0x3FFC];
	_ =	sdelay $0x3  }
0x95: {  	_ =	strace s4  }
0x96: {  	s4 =	sld [smem:$0x3FFD];
	_ =	sdelay $0x3  }
0x97: {  	_ =	strace s4  }
0x98: {  	_ =	strace $0x8FFFFFFF  }
0x99: {  	s20 =	sld [smem:$0x3FDB];
	_ =	sdelay $0x1  }
0x9a: {  	s5 =	simm.s32 $_scs_section_size  }
0x9b: {  	s6 =	simm.s32 $_size__tile_overlayer_lowered;
	s7 =	simm.s32 $_tile_overlayer_lowered  }
0x9c: {  	s23 =	simm.s32 $0x1BFF;
	s22 =	sshll.u32 s7, $0x1;
	s4 =	sadd.s32 s5, s20  }
0x9d: {  	s8 =	simm.s32 $0x0;
	s21 =	sshll.u32 s6, $0x1;
	s6 =	sadd.s32 s22, s4  }
0x9e: {  	[timem:s8], [sflag:s23] =	dma.local [hbm:s6], s21  }
0x9f: {  	_ =	swait.ge [sflag:s23], s21  }
0xa0: {  	s5 =	ssub.s32 $0x0, s21;
	[sflag:s23] =	ssyncset.done $0x0  }
0xa1: {  	[sflag:s23] =	ssyncadd.s32 s5;
	_ =	sdelay $0x1  }
0xa2: {  	s24 =	simm.s32 $0x1B8B  }
0xa3: {  	_ =	swait.ge [sflag:s24], $0x1  }
0xa4: {  	[sflag:s24] =	ssyncset.done $0x0  }
0xa5: {  	s25 =	simm.s32 $0x1B8E;
	[sflag:s24] =	ssyncadd.s32 $0xFFFFFFFF  }
0xa6: {  	s26 =	simm.s32 $execute0_lowered;
	[smem:$0x3FD2] =	sst s25  }
0xa7: {  	s5 =	sshll.u32 s26, $0x1;
	_ =	strace $0x80000046;
	[dreg:$0x1] =	wrdreg $0xFFFFFFFF  }
0xa8: {  	s28 =	simm.s32 $_size_execute0_lowered;
	s4 =	sadd.s32 s4, s5;
	[dreg:$0x0] =	wrdreg $0x0  }
0xa9: {  	s5 =	sshll.u32 s28, $0x1;
	[dreg:$0x2] =	wrdreg s4  }
0xaa: {  	[dreg:$0x3] =	wrdreg s5  }
0xab: {  	[dreg:$0x4] =	wrdreg $0xC0  }
0xac: {  	_ =	task [dreg:s8], $0x5FFFF  }
0xad: {  	[dreg:$0x1] =	wrdreg $0xFFFFFFFF  }
0xae: {  	[dreg:$0x0] =	wrdreg $0x60  }
0xaf: {  	[dreg:$0x2] =	wrdreg s2  }
0xb0: {  	[dreg:$0x3] =	wrdreg s19  }
0xb1: {  	[dreg:$0x4] =	wrdreg $0x9  }
0xb2: {  	_ =	task.clear_ibuf [dreg:s8], $0x5FFFF;
	_ =	strace $0x90000046  }
0xb3: {  	s29 =	simm.s32 $0x9;
	_ =	strace $0x80000048  }
0xb4: {  	_ =	swait.ge [sflag:s29], $0x1  }
0xb5: {  	[sflag:s29] =	ssyncadd.s32 $0xFFFFFFFF  }
0xb6: {  	_ =	strace $0x90000048  }
0xb7: {  	_ =	sfence  }
0xb8: {  	s30 =	sld [smem:$0x0];
	_ =	sdelay $0x2  }
0xb9: {  	s31 =	sshll.u32 s1, $0xD;
	s1 =	sshrl.u32 s1, $0x2  }
0xba: {  	s3 =	sand.u32 $0x4000, s31;
	s1 =	sadd.s32 s1, s30  }
0xbb: {  	s0 =	sor.u32 s3, s0;
	s1 =	sshll.u32 s1, $0x11  }
0xbc: {  	s0 =	sor.u32 s1, s0  }
0xbd: {  	s0 =	sadd.s32 $0x8F2B, s0  }
0xbe: {  	[sflag:s0] =	ssyncadd.remote.s32 $0x1  }
0xbf: {  	_ =	sfence.sel $0xFFFF  }
0xc0: {  	[dreg:$0x0] =	wrdreg $0xFFFFFFFF;
	(pc) =	sbr.abs _section_cstart, $3  }
0xc1: {  	[dreg:$0x1] =	wrdreg $0xFFFFFFFF  }
0xc2: {  	_ =	task.clear_ibuf [dreg:s8], $0x2FFFF;
	_ =	strace $0x9FFFFFFF  }
0xc3: {  	(tm) =	ssettm $0x7FFFFFFF  }
tec
execute0_lowered:
.L_overlay_start_1:
0x0: {  	(tag) =	ssettag $0x1  }
0x1: {  	s0 =	srdreg.scid;
	s1 =	stileid.u32  }
0x2: {  	s0 =	sand.u32 $0x1, s0;
	s1 =	sshll.u32 s1, $0x1  }
0x3: {  	s1 =	sor.u32 s0, s1  }
0x4: {  	s4 =	smul.u32 $0x138800, s1  }
0x5: {  	s1 =	smul.u32 $0x27100, s1  }
0x6: {  	s2 =	rddreg [dreg:$0x1];
	s3 =	simm.s32 $0x0;
	s4 =	sshrl.u32 s4, $0x3  }
0x7: {  	[smem:$0x7FF] =	sst s3;
	s30 =	sadd.s32 s2, s1;
	s23 =	sadd.s32 s2, s4  }
0x8: {  	_ =	strace $0x80000047;
	[dreg:$0x3] =	wrdreg s30;
	s1 =	sadd.s32 $0xC80, s23  }
0x9: {  	s0 =	ssub.s32 $0x2, s0;
	s2 =	sadd.s32 $0x1900, s23;
	[dreg:$0x4] =	wrdreg s1  }
0xa: {  	s5 =	sshrl.u32 s0, $0x1;
	s4 =	sadd.s32 $0x2580, s23;
	[dreg:$0x5] =	wrdreg s2  }
0xb: {  	s24 =	ssub.s32 s0, s5;
	s5 =	sadd.s32 $0x3200, s23;
	[dreg:$0x6] =	wrdreg s4  }
0xc: {  	s6 =	sadd.s32 $0x3E80, s23;
	[dreg:$0x7] =	wrdreg s5  }
0xd: {  	s7 =	sadd.s32 $0x4B00, s23;
	[dreg:$0x8] =	wrdreg s6  }
0xe: {  	s8 =	sadd.s32 $0x5780, s23;
	[dreg:$0x9] =	wrdreg s7  }
0xf: {  	s9 =	sadd.s32 $0x6400, s23;
	[dreg:$0xa] =	wrdreg s8  }
0x10: {  	s10 =	sadd.s32 $0x7080, s23;
	[dreg:$0xb] =	wrdreg s9  }
0x11: {  	s11 =	sadd.s32 $0x7D00, s23;
	[dreg:$0xc] =	wrdreg s10  }
0x12: {  	s12 =	sadd.s32 $0x8980, s23;
	[dreg:$0xd] =	wrdreg s11  }
0x13: {  	s13 =	sadd.s32 $0x9600, s23;
	[dreg:$0xe] =	wrdreg s12  }
0x14: {  	s14 =	sadd.s32 $0xA280, s23;
	[dreg:$0xf] =	wrdreg s13  }
0x15: {  	s15 =	sadd.s32 $0xAF00, s23;
	[dreg:$0x10] =	wrdreg s14  }
0x16: {  	s16 =	sadd.s32 $0xBB80, s23;
	[dreg:$0x11] =	wrdreg s15  }
0x17: {  	s17 =	sadd.s32 $0xC800, s23;
	[dreg:$0x12] =	wrdreg s16  }
0x18: {  	s18 =	sadd.s32 $0xD480, s23;
	[dreg:$0x13] =	wrdreg s17  }
0x19: {  	s19 =	sadd.s32 $0xE100, s23;
	[dreg:$0x14] =	wrdreg s18  }
0x1a: {  	s20 =	sadd.s32 $0xED80, s23;
	[dreg:$0x15] =	wrdreg s19  }
0x1b: {  	s21 =	sadd.s32 $0xFA00, s23;
	[dreg:$0x16] =	wrdreg s20  }
0x1c: {  	s22 =	sadd.s32 $0x10680, s23;
	[dreg:$0x17] =	wrdreg s21  }
0x1d: {  	s25 =	sadd.s32 $0x11300, s23;
	[dreg:$0x18] =	wrdreg s22  }
0x1e: {  	s26 =	sadd.s32 $0x11F80, s23;
	[dreg:$0x19] =	wrdreg s25  }
0x1f: {  	s28 =	simm.s32 $0x0;
	s29 =	sadd.s32 $0x12C00, s23;
	[dreg:$0x1a] =	wrdreg s26  }
0x20: {  	s24 =	smax.u32 s24, $0x1;
	s30 =	sadd.s32 $0x13880, s23;
	[dreg:$0x1b] =	wrdreg s29  }
0x21: {  	s31 =	sadd.s32 $0x14500, s23;
	s0 =	sadd.s32 $0x15E00, s23;
	[dreg:$0x1c] =	wrdreg s30  }
0x22: {  	s1 =	sadd.s32 $0x15180, s23;
	s2 =	sadd.s32 $0x16A80, s23;
	s4 =	sadd.s32 $0x17700, s23  }
0x23: {  	s5 =	sadd.s32 $0x18380, s23;
	s6 =	sadd.s32 $0x19000, s23;
	s7 =	sadd.s32 $0x19C80, s23  }
0x24: {  	s8 =	sadd.s32 $0x1A900, s23;
	s9 =	sadd.s32 $0x1B580, s23;
	s10 =	sadd.s32 $0x1C200, s23  }
0x25: {  	s11 =	sadd.s32 $0x1CE80, s23;
	s12 =	sadd.s32 $0x1DB00, s23;
	s13 =	sadd.s32 $0x1E780, s23  }
0x26: {  	s14 =	sadd.s32 $0x1F400, s23;
	s15 =	sadd.s32 $0x20080, s23;
	s16 =	sadd.s32 $0x20D00, s23  }
0x27: {  	s17 =	sadd.s32 $0x21980, s23;
	s18 =	sadd.s32 $0x22600, s23;
	s19 =	sadd.s32 $0x23280, s23  }
0x28: {  	s20 =	sadd.s32 $0x23F00, s23;
	s21 =	sadd.s32 $0x24B80, s23;
	s22 =	sadd.s32 $0x25800, s23  }
0x29: {  	s23 =	sadd.s32 $0x26480, s23;
	s25 =	simm.s32 $0x2;
	s26 =	simm.s32 $0x1  }
.LBB2_1:
0x2a: {  	s29 =	rddreg [dreg:$0x0]  }
0x2b: {  	[tilespmem:s3], [sflag:$0x2] =	stream.linear.gather [hbm4b:s29+s3], $0x80, $0x38;
	[tilespmem:$0x6400] =	vst v63  }
0x2c: {  	_ =	swait.ge [sflag:s25], $0x80  }
0x2d: {  	[sflag:s25] =	ssyncset.done $0x0  }
0x2e: {  	[sflag:s25] =	ssyncadd.s32 $0xFFFFFF80  }
0x2f: {  	v2 =	vld [tilespmem:$0x0]  }
0x30: {  	v3 =	vld [tilespmem:$0x10]  }
0x31: {  	v4 =	vld [tilespmem:$0x20]  }
0x32: {  	v0 =	vld [tilespmem:$0x70]  }
0x33: {  	v1 =	vld [tilespmem:$0x60]  }
0x34: {  	v6 =	vld [tilespmem:$0x50]  }
0x35: {  	s29 =	simm.s32 $0x240;
	v7 =	vld [tilespmem:$0x40]  }
0x36: {  	v5 =	vld [tilespmem:$0x30];
	[tilespmem:s29+$0xFFFFFE40] =	vst v2  }
0x37: {  	[tilespmem:s29+$0x230] =	vst v0  }
0x38: {  	[tilespmem:s29+$0x220] =	vst v1  }
0x39: {  	[tilespmem:s29+$0x210] =	vst v6  }
0x3a: {  	[tilespmem:s29+$0x200] =	vst v7  }
0x3b: {  	[tilespmem:s29+$0x1F0] =	vst v5  }
0x3c: {  	[tilespmem:s29+$0x1E0] =	vst v4  }
0x3d: {  	[tilespmem:s29+$0x1D0] =	vst v3  }
0x3e: {  	[tilespmem:s29+$0x1C0] =	vst v2  }
0x3f: {  	[tilespmem:s29+$0x1B0] =	vst v0  }
0x40: {  	[tilespmem:s29+$0x1A0] =	vst v1  }
0x41: {  	[tilespmem:s29+$0x190] =	vst v6  }
0x42: {  	[tilespmem:s29+$0x180] =	vst v7  }
0x43: {  	[tilespmem:s29+$0x170] =	vst v5  }
0x44: {  	[tilespmem:s29+$0x160] =	vst v4  }
0x45: {  	[tilespmem:s29+$0x150] =	vst v3  }
0x46: {  	[tilespmem:s29+$0x140] =	vst v2  }
0x47: {  	[tilespmem:s29+$0x130] =	vst v0  }
0x48: {  	[tilespmem:s29+$0x120] =	vst v1  }
0x49: {  	[tilespmem:s29+$0x110] =	vst v6  }
0x4a: {  	[tilespmem:s29+$0x100] =	vst v7  }
0x4b: {  	[tilespmem:s29+$0xF0] =	vst v5  }
0x4c: {  	[tilespmem:s29+$0xE0] =	vst v4  }
0x4d: {  	[tilespmem:s29+$0xD0] =	vst v3  }
0x4e: {  	[tilespmem:s29+$0xC0] =	vst v2  }
0x4f: {  	[tilespmem:s29+$0xB0] =	vst v0  }
0x50: {  	[tilespmem:s29+$0xA0] =	vst v1  }
0x51: {  	[tilespmem:s29+$0x90] =	vst v6  }
0x52: {  	[tilespmem:s29+$0x80] =	vst v7  }
0x53: {  	[tilespmem:s29+$0x70] =	vst v5  }
0x54: {  	[tilespmem:s29+$0x60] =	vst v4  }
0x55: {  	[tilespmem:s29+$0x50] =	vst v3  }
0x56: {  	[tilespmem:s29+$0x40] =	vst v2  }
0x57: {  	[tilespmem:s29+$0x30] =	vst v0  }
0x58: {  	[tilespmem:s29+$0x20] =	vst v1  }
0x59: {  	[tilespmem:s29+$0x10] =	vst v6  }
0x5a: {  	[tilespmem:s29+$0x0] =	vst v7  }
0x5b: {  	[tilespmem:s29+$0xFFFFFFF0] =	vst v5  }
0x5c: {  	[tilespmem:s29+$0xFFFFFFE0] =	vst v4  }
0x5d: {  	[tilespmem:s29+$0xFFFFFFD0] =	vst v3  }
0x5e: {  	[tilespmem:s29+$0xFFFFFFC0] =	vst v2  }
0x5f: {  	[tilespmem:s29+$0xFFFFFFB0] =	vst v0  }
0x60: {  	[tilespmem:s29+$0xFFFFFFA0] =	vst v1  }
0x61: {  	[tilespmem:s29+$0xFFFFFF90] =	vst v6  }
0x62: {  	[tilespmem:s29+$0xFFFFFF80] =	vst v7  }
0x63: {  	[tilespmem:s29+$0xFFFFFF70] =	vst v5  }
0x64: {  	[tilespmem:s29+$0xFFFFFF60] =	vst v4  }
0x65: {  	[tilespmem:s29+$0xFFFFFF50] =	vst v3  }
0x66: {  	[tilespmem:s29+$0xFFFFFF40] =	vst v2  }
0x67: {  	[tilespmem:s29+$0xFFFFFF30] =	vst v0  }
0x68: {  	[tilespmem:s29+$0xFFFFFF20] =	vst v1  }
0x69: {  	[tilespmem:s29+$0xFFFFFF10] =	vst v6  }
0x6a: {  	[tilespmem:s29+$0xFFFFFF00] =	vst v7  }
0x6b: {  	[tilespmem:s29+$0xFFFFFEF0] =	vst v5  }
0x6c: {  	[tilespmem:s29+$0xFFFFFEE0] =	vst v4  }
0x6d: {  	[tilespmem:s29+$0xFFFFFED0] =	vst v3  }
0x6e: {  	[tilespmem:s29+$0xFFFFFEC0] =	vst v2  }
0x6f: {  	[tilespmem:s29+$0xFFFFFEB0] =	vst v0  }
0x70: {  	[tilespmem:s29+$0xFFFFFEA0] =	vst v1  }
0x71: {  	[tilespmem:s29+$0xFFFFFE90] =	vst v6  }
0x72: {  	[tilespmem:s29+$0xFFFFFE80] =	vst v7  }
0x73: {  	[tilespmem:s29+$0xFFFFFE70] =	vst v5  }
0x74: {  	s30 =	simm.s32 $0x1;
	[tilespmem:s29+$0xFFFFFE60] =	vst v4  }
.LBB2_2:
0x75: {  	s30 =	sadd.s32 $0x8, s30;
	[tilespmem:s29+$0xFFFFFE50] =	vst v3;
	s29 =	sadd.s32 $0x400, s29  }
0x76: {  	[tilespmem:s29+$0xFFFFFE40] =	vst v2;
	p0 =	slt.u32 s30, $0xB9  }
0x77: {  	[tilespmem:s29+$0x230] =	vst v0  }
0x78: {  	[tilespmem:s29+$0x220] =	vst v1  }
0x79: {  	[tilespmem:s29+$0x210] =	vst v6  }
0x7a: {  	[tilespmem:s29+$0x200] =	vst v7  }
0x7b: {  	[tilespmem:s29+$0x1F0] =	vst v5  }
0x7c: {  	[tilespmem:s29+$0x1E0] =	vst v4  }
0x7d: {  	[tilespmem:s29+$0x1D0] =	vst v3  }
0x7e: {  	[tilespmem:s29+$0x1C0] =	vst v2  }
0x7f: {  	[tilespmem:s29+$0x1B0] =	vst v0  }
0x80: {  	[tilespmem:s29+$0x1A0] =	vst v1  }
0x81: {  	[tilespmem:s29+$0x190] =	vst v6  }
0x82: {  	[tilespmem:s29+$0x180] =	vst v7  }
0x83: {  	[tilespmem:s29+$0x170] =	vst v5  }
0x84: {  	[tilespmem:s29+$0x160] =	vst v4  }
0x85: {  	[tilespmem:s29+$0x150] =	vst v3  }
0x86: {  	[tilespmem:s29+$0x140] =	vst v2  }
0x87: {  	[tilespmem:s29+$0x130] =	vst v0  }
0x88: {  	[tilespmem:s29+$0x120] =	vst v1  }
0x89: {  	[tilespmem:s29+$0x110] =	vst v6  }
0x8a: {  	[tilespmem:s29+$0x100] =	vst v7  }
0x8b: {  	[tilespmem:s29+$0xF0] =	vst v5  }
0x8c: {  	[tilespmem:s29+$0xE0] =	vst v4  }
0x8d: {  	[tilespmem:s29+$0xD0] =	vst v3  }
0x8e: {  	[tilespmem:s29+$0xC0] =	vst v2  }
0x8f: {  	[tilespmem:s29+$0xB0] =	vst v0  }
0x90: {  	[tilespmem:s29+$0xA0] =	vst v1  }
0x91: {  	[tilespmem:s29+$0x90] =	vst v6  }
0x92: {  	[tilespmem:s29+$0x80] =	vst v7  }
0x93: {  	[tilespmem:s29+$0x70] =	vst v5  }
0x94: {  	[tilespmem:s29+$0x60] =	vst v4  }
0x95: {  	[tilespmem:s29+$0x50] =	vst v3  }
0x96: {  	[tilespmem:s29+$0x40] =	vst v2  }
0x97: {  	[tilespmem:s29+$0x30] =	vst v0  }
0x98: {  	[tilespmem:s29+$0x20] =	vst v1  }
0x99: {  	[tilespmem:s29+$0x10] =	vst v6  }
0x9a: {  	[tilespmem:s29+$0x0] =	vst v7  }
0x9b: {  	[tilespmem:s29+$0xFFFFFFF0] =	vst v5  }
0x9c: {  	[tilespmem:s29+$0xFFFFFFE0] =	vst v4  }
0x9d: {  	[tilespmem:s29+$0xFFFFFFD0] =	vst v3  }
0x9e: {  	[tilespmem:s29+$0xFFFFFFC0] =	vst v2  }
0x9f: {  	[tilespmem:s29+$0xFFFFFFB0] =	vst v0  }
0xa0: {  	[tilespmem:s29+$0xFFFFFFA0] =	vst v1  }
0xa1: {  	[tilespmem:s29+$0xFFFFFF90] =	vst v6  }
0xa2: {  	[tilespmem:s29+$0xFFFFFF80] =	vst v7  }
0xa3: {  	[tilespmem:s29+$0xFFFFFF70] =	vst v5  }
0xa4: {  	[tilespmem:s29+$0xFFFFFF60] =	vst v4  }
0xa5: {  	[tilespmem:s29+$0xFFFFFF50] =	vst v3  }
0xa6: {  	[tilespmem:s29+$0xFFFFFF40] =	vst v2  }
0xa7: {  	[tilespmem:s29+$0xFFFFFF30] =	vst v0  }
0xa8: {  	[tilespmem:s29+$0xFFFFFF20] =	vst v1  }
0xa9: {  	[tilespmem:s29+$0xFFFFFF10] =	vst v6  }
0xaa: {  	[tilespmem:s29+$0xFFFFFF00] =	vst v7  }
0xab: {  	[tilespmem:s29+$0xFFFFFEF0] =	vst v5  }
0xac: {  	[tilespmem:s29+$0xFFFFFEE0] =	vst v4  }
0xad: {  	[tilespmem:s29+$0xFFFFFED0] =	vst v3  }
0xae: {  	[tilespmem:s29+$0xFFFFFEC0] =	vst v2  }
0xaf: {  	[tilespmem:s29+$0xFFFFFEB0] =	vst v0  }
.Ltmp0:
0xb0: {  	[tilespmem:s29+$0xFFFFFEA0] =	vst v1;
	(pc) =	sbr.rel @p0 .LBB2_2-.Ltmp0, $4  }
0xb1: {  	[tilespmem:s29+$0xFFFFFE90] =	vst v6  }
0xb2: {  	[tilespmem:s29+$0xFFFFFE80] =	vst v7  }
0xb3: {  	[tilespmem:s29+$0xFFFFFE70] =	vst v5  }
0xb4: {  	[tilespmem:s29+$0xFFFFFE60] =	vst v4  }
0xb5: {  	[tilespmem:s29+$0xFFFFFE50] =	vst v3  }
0xb6: {  	[tilespmem:$0x6080] =	vst v2  }
0xb7: {  	[tilespmem:$0x6090] =	vst v3  }
0xb8: {  	[tilespmem:$0x60A0] =	vst v4  }
0xb9: {  	[tilespmem:$0x60B0] =	vst v5  }
0xba: {  	[tilespmem:$0x60C0] =	vst v7  }
0xbb: {  	[tilespmem:$0x60D0] =	vst v6  }
0xbc: {  	[tilespmem:$0x60E0] =	vst v1  }
0xbd: {  	[tilespmem:$0x60F0] =	vst v0  }
0xbe: {  	[tilespmem:$0x6100] =	vst v2  }
0xbf: {  	[tilespmem:$0x6110] =	vst v3  }
0xc0: {  	[tilespmem:$0x6120] =	vst v4  }
0xc1: {  	[tilespmem:$0x6130] =	vst v5  }
0xc2: {  	[tilespmem:$0x6140] =	vst v7  }
0xc3: {  	[tilespmem:$0x6150] =	vst v6  }
0xc4: {  	[tilespmem:$0x6160] =	vst v1  }
0xc5: {  	[tilespmem:$0x6170] =	vst v0  }
0xc6: {  	[tilespmem:$0x6180] =	vst v2  }
0xc7: {  	[tilespmem:$0x6190] =	vst v3  }
0xc8: {  	[tilespmem:$0x61A0] =	vst v4  }
0xc9: {  	[tilespmem:$0x61B0] =	vst v5  }
0xca: {  	[tilespmem:$0x61C0] =	vst v7  }
0xcb: {  	[tilespmem:$0x61D0] =	vst v6  }
0xcc: {  	[tilespmem:$0x61E0] =	vst v1  }
0xcd: {  	[tilespmem:$0x61F0] =	vst v0  }
0xce: {  	[tilespmem:$0x6200] =	vst v2  }
0xcf: {  	[tilespmem:$0x6210] =	vst v3  }
0xd0: {  	[tilespmem:$0x6220] =	vst v4  }
0xd1: {  	[tilespmem:$0x6230] =	vst v5  }
0xd2: {  	[tilespmem:$0x6240] =	vst v7  }
0xd3: {  	[tilespmem:$0x6250] =	vst v6  }
0xd4: {  	[tilespmem:$0x6260] =	vst v1  }
0xd5: {  	[tilespmem:$0x6270] =	vst v0  }
0xd6: {  	[tilespmem:$0x6280] =	vst v2  }
0xd7: {  	[tilespmem:$0x6290] =	vst v3  }
0xd8: {  	[tilespmem:$0x62A0] =	vst v4  }
0xd9: {  	[tilespmem:$0x62B0] =	vst v5  }
0xda: {  	[tilespmem:$0x62C0] =	vst v7  }
0xdb: {  	[tilespmem:$0x62D0] =	vst v6  }
0xdc: {  	[tilespmem:$0x62E0] =	vst v1  }
0xdd: {  	[tilespmem:$0x62F0] =	vst v0  }
0xde: {  	[tilespmem:$0x6300] =	vst v2  }
0xdf: {  	[tilespmem:$0x6310] =	vst v3  }
0xe0: {  	[tilespmem:$0x6320] =	vst v4  }
0xe1: {  	[tilespmem:$0x6330] =	vst v5  }
0xe2: {  	[tilespmem:$0x6340] =	vst v7  }
0xe3: {  	[tilespmem:$0x6350] =	vst v6  }
0xe4: {  	[tilespmem:$0x6360] =	vst v1  }
0xe5: {  	[tilespmem:$0x6370] =	vst v0  }
0xe6: {  	[tilespmem:$0x6380] =	vst v2  }
0xe7: {  	[tilespmem:$0x6390] =	vst v3  }
0xe8: {  	[tilespmem:$0x63A0] =	vst v4  }
0xe9: {  	[tilespmem:$0x63B0] =	vst v5  }
0xea: {  	[tilespmem:$0x63C0] =	vst v7  }
0xeb: {  	[tilespmem:$0x63D0] =	vst v6  }
0xec: {  	[tilespmem:$0x63E0] =	vst v1  }
0xed: {  	s30 =	rddreg [dreg:$0x3];
	[tilespmem:$0x63F0] =	vst v0  }
0xee: {  	[hbm4b:s30+s3] =	stream.linear.scatter [tilespmem:s3], [sflag:$0x1], $0x6400, $0x38;
	[tilespmem:$0x6400] =	vst v63  }
0xef: {  	s30 =	rddreg [dreg:$0x4]  }
0xf0: {  	[hbm4b:s30+s3] =	stream.linear.scatter [tilespmem:s3], [sflag:$0x1], $0x6400, $0x38;
	[tilespmem:$0x6400] =	vst v63  }
0xf1: {  	s30 =	rddreg [dreg:$0x5]  }
0xf2: {  	[hbm4b:s30+s3] =	stream.linear.scatter [tilespmem:s3], [sflag:$0x1], $0x6400, $0x38;
	[tilespmem:$0x6400] =	vst v63  }
0xf3: {  	s30 =	rddreg [dreg:$0x6]  }
0xf4: {  	[hbm4b:s30+s3] =	stream.linear.scatter [tilespmem:s3], [sflag:$0x1], $0x6400, $0x38;
	[tilespmem:$0x6400] =	vst v63  }
0xf5: {  	s30 =	rddreg [dreg:$0x7]  }
0xf6: {  	[hbm4b:s30+s3] =	stream.linear.scatter [tilespmem:s3], [sflag:$0x1], $0x6400, $0x38;
	[tilespmem:$0x6400] =	vst v63  }
0xf7: {  	s30 =	rddreg [dreg:$0x8]  }
0xf8: {  	[hbm4b:s30+s3] =	stream.linear.scatter [tilespmem:s3], [sflag:$0x1], $0x6400, $0x38;
	[tilespmem:$0x6400] =	vst v63  }
0xf9: {  	s30 =	rddreg [dreg:$0x9]  }
0xfa: {  	[hbm4b:s30+s3] =	stream.linear.scatter [tilespmem:s3], [sflag:$0x1], $0x6400, $0x38;
	[tilespmem:$0x6400] =	vst v63  }
0xfb: {  	s30 =	rddreg [dreg:$0xa]  }
0xfc: {  	[hbm4b:s30+s3] =	stream.linear.scatter [tilespmem:s3], [sflag:$0x1], $0x6400, $0x38;
	[tilespmem:$0x6400] =	vst v63  }
0xfd: {  	s30 =	rddreg [dreg:$0xb]  }
0xfe: {  	[hbm4b:s30+s3] =	stream.linear.scatter [tilespmem:s3], [sflag:$0x1], $0x6400, $0x38;
	[tilespmem:$0x6400] =	vst v63  }
0xff: {  	s30 =	rddreg [dreg:$0xc]  }
0x100: {  	[hbm4b:s30+s3] =	stream.linear.scatter [tilespmem:s3], [sflag:$0x1], $0x6400, $0x38;
	[tilespmem:$0x6400] =	vst v63  }
0x101: {  	s30 =	rddreg [dreg:$0xd]  }
0x102: {  	[hbm4b:s30+s3] =	stream.linear.scatter [tilespmem:s3], [sflag:$0x1], $0x6400, $0x38;
	[tilespmem:$0x6400] =	vst v63  }
0x103: {  	s30 =	rddreg [dreg:$0xe]  }
0x104: {  	[hbm4b:s30+s3] =	stream.linear.scatter [tilespmem:s3], [sflag:$0x1], $0x6400, $0x38;
	[tilespmem:$0x6400] =	vst v63  }
0x105: {  	s30 =	rddreg [dreg:$0xf]  }
0x106: {  	[hbm4b:s30+s3] =	stream.linear.scatter [tilespmem:s3], [sflag:$0x1], $0x6400, $0x38;
	[tilespmem:$0x6400] =	vst v63  }
0x107: {  	s30 =	rddreg [dreg:$0x10]  }
0x108: {  	[hbm4b:s30+s3] =	stream.linear.scatter [tilespmem:s3], [sflag:$0x1], $0x6400, $0x38;
	[tilespmem:$0x6400] =	vst v63  }
0x109: {  	s30 =	rddreg [dreg:$0x11]  }
0x10a: {  	[hbm4b:s30+s3] =	stream.linear.scatter [tilespmem:s3], [sflag:$0x1], $0x6400, $0x38;
	[tilespmem:$0x6400] =	vst v63  }
0x10b: {  	s30 =	rddreg [dreg:$0x12]  }
0x10c: {  	[hbm4b:s30+s3] =	stream.linear.scatter [tilespmem:s3], [sflag:$0x1], $0x6400, $0x38;
	[tilespmem:$0x6400] =	vst v63  }
0x10d: {  	s30 =	rddreg [dreg:$0x13]  }
0x10e: {  	[hbm4b:s30+s3] =	stream.linear.scatter [tilespmem:s3], [sflag:$0x1], $0x6400, $0x38;
	[tilespmem:$0x6400] =	vst v63  }
0x10f: {  	s30 =	rddreg [dreg:$0x14]  }
0x110: {  	[hbm4b:s30+s3] =	stream.linear.scatter [tilespmem:s3], [sflag:$0x1], $0x6400, $0x38;
	[tilespmem:$0x6400] =	vst v63  }
0x111: {  	s30 =	rddreg [dreg:$0x15]  }
0x112: {  	[hbm4b:s30+s3] =	stream.linear.scatter [tilespmem:s3], [sflag:$0x1], $0x6400, $0x38;
	[tilespmem:$0x6400] =	vst v63  }
0x113: {  	s30 =	rddreg [dreg:$0x16]  }
0x114: {  	[hbm4b:s30+s3] =	stream.linear.scatter [tilespmem:s3], [sflag:$0x1], $0x6400, $0x38;
	[tilespmem:$0x6400] =	vst v63  }
0x115: {  	s30 =	rddreg [dreg:$0x17]  }
0x116: {  	[hbm4b:s30+s3] =	stream.linear.scatter [tilespmem:s3], [sflag:$0x1], $0x6400, $0x38;
	[tilespmem:$0x6400] =	vst v63  }
0x117: {  	s30 =	rddreg [dreg:$0x18]  }
0x118: {  	[hbm4b:s30+s3] =	stream.linear.scatter [tilespmem:s3], [sflag:$0x1], $0x6400, $0x38;
	[tilespmem:$0x6400] =	vst v63  }
0x119: {  	s30 =	rddreg [dreg:$0x19]  }
0x11a: {  	[hbm4b:s30+s3] =	stream.linear.scatter [tilespmem:s3], [sflag:$0x1], $0x6400, $0x38;
	[tilespmem:$0x6400] =	vst v63  }
0x11b: {  	s30 =	rddreg [dreg:$0x1a]  }
0x11c: {  	[hbm4b:s30+s3] =	stream.linear.scatter [tilespmem:s3], [sflag:$0x1], $0x6400, $0x38;
	[tilespmem:$0x6400] =	vst v63  }
0x11d: {  	s30 =	rddreg [dreg:$0x1b]  }
0x11e: {  	[hbm4b:s30+s3] =	stream.linear.scatter [tilespmem:s3], [sflag:$0x1], $0x6400, $0x38;
	[tilespmem:$0x6400] =	vst v63  }
0x11f: {  	s30 =	rddreg [dreg:$0x1c]  }
0x120: {  	[hbm4b:s30+s3] =	stream.linear.scatter [tilespmem:s3], [sflag:$0x1], $0x6400, $0x38;
	[tilespmem:$0x6400] =	vst v63  }
0x121: {  	_ = 	snop  }
0x122: {  	[hbm4b:s31+s3] =	stream.linear.scatter [tilespmem:s3], [sflag:$0x1], $0x6400, $0x38;
	[tilespmem:$0x6400] =	vst v63  }
0x123: {  	_ = 	snop  }
0x124: {  	[hbm4b:s1+s3] =	stream.linear.scatter [tilespmem:s3], [sflag:$0x1], $0x6400, $0x38;
	[tilespmem:$0x6400] =	vst v63  }
0x125: {  	_ = 	snop  }
0x126: {  	[hbm4b:s0+s3] =	stream.linear.scatter [tilespmem:s3], [sflag:$0x1], $0x6400, $0x38;
	[tilespmem:$0x6400] =	vst v63  }
0x127: {  	_ = 	snop  }
0x128: {  	[hbm4b:s2+s3] =	stream.linear.scatter [tilespmem:s3], [sflag:$0x1], $0x6400, $0x38;
	[tilespmem:$0x6400] =	vst v63  }
0x129: {  	_ = 	snop  }
0x12a: {  	[hbm4b:s4+s3] =	stream.linear.scatter [tilespmem:s3], [sflag:$0x1], $0x6400, $0x38;
	[tilespmem:$0x6400] =	vst v63  }
0x12b: {  	_ = 	snop  }
0x12c: {  	[hbm4b:s5+s3] =	stream.linear.scatter [tilespmem:s3], [sflag:$0x1], $0x6400, $0x38;
	[tilespmem:$0x6400] =	vst v63  }
0x12d: {  	_ = 	snop  }
0x12e: {  	[hbm4b:s6+s3] =	stream.linear.scatter [tilespmem:s3], [sflag:$0x1], $0x6400, $0x38;
	[tilespmem:$0x6400] =	vst v63  }
0x12f: {  	_ = 	snop  }
0x130: {  	[hbm4b:s7+s3] =	stream.linear.scatter [tilespmem:s3], [sflag:$0x1], $0x6400, $0x38;
	[tilespmem:$0x6400] =	vst v63  }
0x131: {  	_ = 	snop  }
0x132: {  	[hbm4b:s8+s3] =	stream.linear.scatter [tilespmem:s3], [sflag:$0x1], $0x6400, $0x38;
	[tilespmem:$0x6400] =	vst v63  }
0x133: {  	_ = 	snop  }
0x134: {  	[hbm4b:s9+s3] =	stream.linear.scatter [tilespmem:s3], [sflag:$0x1], $0x6400, $0x38;
	[tilespmem:$0x6400] =	vst v63  }
0x135: {  	_ = 	snop  }
0x136: {  	[hbm4b:s10+s3] =	stream.linear.scatter [tilespmem:s3], [sflag:$0x1], $0x6400, $0x38;
	[tilespmem:$0x6400] =	vst v63  }
0x137: {  	_ = 	snop  }
0x138: {  	[hbm4b:s11+s3] =	stream.linear.scatter [tilespmem:s3], [sflag:$0x1], $0x6400, $0x38;
	[tilespmem:$0x6400] =	vst v63  }
0x139: {  	_ = 	snop  }
0x13a: {  	[hbm4b:s12+s3] =	stream.linear.scatter [tilespmem:s3], [sflag:$0x1], $0x6400, $0x38;
	[tilespmem:$0x6400] =	vst v63  }
0x13b: {  	_ = 	snop  }
0x13c: {  	[hbm4b:s13+s3] =	stream.linear.scatter [tilespmem:s3], [sflag:$0x1], $0x6400, $0x38;
	[tilespmem:$0x6400] =	vst v63  }
0x13d: {  	_ = 	snop  }
0x13e: {  	[hbm4b:s14+s3] =	stream.linear.scatter [tilespmem:s3], [sflag:$0x1], $0x6400, $0x38;
	[tilespmem:$0x6400] =	vst v63  }
0x13f: {  	_ = 	snop  }
0x140: {  	[hbm4b:s15+s3] =	stream.linear.scatter [tilespmem:s3], [sflag:$0x1], $0x6400, $0x38;
	[tilespmem:$0x6400] =	vst v63  }
0x141: {  	_ = 	snop  }
0x142: {  	[hbm4b:s16+s3] =	stream.linear.scatter [tilespmem:s3], [sflag:$0x1], $0x6400, $0x38;
	[tilespmem:$0x6400] =	vst v63  }
0x143: {  	_ = 	snop  }
0x144: {  	[hbm4b:s17+s3] =	stream.linear.scatter [tilespmem:s3], [sflag:$0x1], $0x6400, $0x38;
	[tilespmem:$0x6400] =	vst v63  }
0x145: {  	_ = 	snop  }
0x146: {  	[hbm4b:s18+s3] =	stream.linear.scatter [tilespmem:s3], [sflag:$0x1], $0x6400, $0x38;
	[tilespmem:$0x6400] =	vst v63  }
0x147: {  	_ = 	snop  }
0x148: {  	[hbm4b:s19+s3] =	stream.linear.scatter [tilespmem:s3], [sflag:$0x1], $0x6400, $0x38;
	[tilespmem:$0x6400] =	vst v63  }
0x149: {  	_ = 	snop  }
0x14a: {  	[hbm4b:s20+s3] =	stream.linear.scatter [tilespmem:s3], [sflag:$0x1], $0x6400, $0x38;
	[tilespmem:$0x6400] =	vst v63  }
0x14b: {  	_ = 	snop  }
0x14c: {  	[hbm4b:s21+s3] =	stream.linear.scatter [tilespmem:s3], [sflag:$0x1], $0x6400, $0x38;
	[tilespmem:$0x6400] =	vst v63  }
0x14d: {  	_ = 	snop  }
0x14e: {  	[hbm4b:s22+s3] =	stream.linear.scatter [tilespmem:s3], [sflag:$0x1], $0x6400, $0x38;
	[tilespmem:$0x6400] =	vst v63  }
0x14f: {  	_ = 	snop  }
0x150: {  	[hbm4b:s23+s3] =	stream.linear.scatter [tilespmem:s3], [sflag:$0x1], $0x6400, $0x38;
	[tilespmem:$0x6400] =	vst v63  }
0x151: {  	_ =	swait.ge [sflag:s26], $0x6400  }
0x152: {  	[sflag:s26] =	ssyncset.done $0x0  }
0x153: {  	[sflag:s26] =	ssyncadd.s32 $0xFFFF9C00  }
0x154: {  	_ =	swait.ge [sflag:s26], $0x6400  }
0x155: {  	[sflag:s26] =	ssyncset.done $0x0  }
0x156: {  	[sflag:s26] =	ssyncadd.s32 $0xFFFF9C00  }
0x157: {  	_ =	swait.ge [sflag:s26], $0x6400  }
0x158: {  	[sflag:s26] =	ssyncset.done $0x0  }
0x159: {  	[sflag:s26] =	ssyncadd.s32 $0xFFFF9C00  }
0x15a: {  	_ =	swait.ge [sflag:s26], $0x6400  }
0x15b: {  	[sflag:s26] =	ssyncset.done $0x0  }
0x15c: {  	[sflag:s26] =	ssyncadd.s32 $0xFFFF9C00  }
0x15d: {  	_ =	swait.ge [sflag:s26], $0x6400  }
0x15e: {  	[sflag:s26] =	ssyncset.done $0x0  }
0x15f: {  	[sflag:s26] =	ssyncadd.s32 $0xFFFF9C00  }
0x160: {  	_ =	swait.ge [sflag:s26], $0x6400  }
0x161: {  	[sflag:s26] =	ssyncset.done $0x0  }
0x162: {  	[sflag:s26] =	ssyncadd.s32 $0xFFFF9C00  }
0x163: {  	_ =	swait.ge [sflag:s26], $0x6400  }
0x164: {  	[sflag:s26] =	ssyncset.done $0x0  }
0x165: {  	[sflag:s26] =	ssyncadd.s32 $0xFFFF9C00  }
0x166: {  	_ =	swait.ge [sflag:s26], $0x6400  }
0x167: {  	[sflag:s26] =	ssyncset.done $0x0  }
0x168: {  	[sflag:s26] =	ssyncadd.s32 $0xFFFF9C00  }
0x169: {  	_ =	swait.ge [sflag:s26], $0x6400  }
0x16a: {  	[sflag:s26] =	ssyncset.done $0x0  }
0x16b: {  	[sflag:s26] =	ssyncadd.s32 $0xFFFF9C00  }
0x16c: {  	_ =	swait.ge [sflag:s26], $0x6400  }
0x16d: {  	[sflag:s26] =	ssyncset.done $0x0  }
0x16e: {  	[sflag:s26] =	ssyncadd.s32 $0xFFFF9C00  }
0x16f: {  	_ =	swait.ge [sflag:s26], $0x6400  }
0x170: {  	[sflag:s26] =	ssyncset.done $0x0  }
0x171: {  	[sflag:s26] =	ssyncadd.s32 $0xFFFF9C00  }
0x172: {  	_ =	swait.ge [sflag:s26], $0x6400  }
0x173: {  	[sflag:s26] =	ssyncset.done $0x0  }
0x174: {  	[sflag:s26] =	ssyncadd.s32 $0xFFFF9C00  }
0x175: {  	_ =	swait.ge [sflag:s26], $0x6400  }
0x176: {  	[sflag:s26] =	ssyncset.done $0x0  }
0x177: {  	[sflag:s26] =	ssyncadd.s32 $0xFFFF9C00  }
0x178: {  	_ =	swait.ge [sflag:s26], $0x6400  }
0x179: {  	[sflag:s26] =	ssyncset.done $0x0  }
0x17a: {  	[sflag:s26] =	ssyncadd.s32 $0xFFFF9C00  }
0x17b: {  	_ =	swait.ge [sflag:s26], $0x6400  }
0x17c: {  	[sflag:s26] =	ssyncset.done $0x0  }
0x17d: {  	[sflag:s26] =	ssyncadd.s32 $0xFFFF9C00  }
0x17e: {  	_ =	swait.ge [sflag:s26], $0x6400  }
0x17f: {  	[sflag:s26] =	ssyncset.done $0x0  }
0x180: {  	[sflag:s26] =	ssyncadd.s32 $0xFFFF9C00  }
0x181: {  	_ =	swait.ge [sflag:s26], $0x6400  }
0x182: {  	[sflag:s26] =	ssyncset.done $0x0  }
0x183: {  	[sflag:s26] =	ssyncadd.s32 $0xFFFF9C00  }
0x184: {  	_ =	swait.ge [sflag:s26], $0x6400  }
0x185: {  	[sflag:s26] =	ssyncset.done $0x0  }
0x186: {  	[sflag:s26] =	ssyncadd.s32 $0xFFFF9C00  }
0x187: {  	_ =	swait.ge [sflag:s26], $0x6400  }
0x188: {  	[sflag:s26] =	ssyncset.done $0x0  }
0x189: {  	[sflag:s26] =	ssyncadd.s32 $0xFFFF9C00  }
0x18a: {  	_ =	swait.ge [sflag:s26], $0x6400  }
0x18b: {  	[sflag:s26] =	ssyncset.done $0x0  }
0x18c: {  	[sflag:s26] =	ssyncadd.s32 $0xFFFF9C00  }
0x18d: {  	_ =	swait.ge [sflag:s26], $0x6400  }
0x18e: {  	[sflag:s26] =	ssyncset.done $0x0  }
0x18f: {  	[sflag:s26] =	ssyncadd.s32 $0xFFFF9C00  }
0x190: {  	_ =	swait.ge [sflag:s26], $0x6400  }
0x191: {  	[sflag:s26] =	ssyncset.done $0x0  }
0x192: {  	[sflag:s26] =	ssyncadd.s32 $0xFFFF9C00  }
0x193: {  	_ =	swait.ge [sflag:s26], $0x6400  }
0x194: {  	[sflag:s26] =	ssyncset.done $0x0  }
0x195: {  	[sflag:s26] =	ssyncadd.s32 $0xFFFF9C00  }
0x196: {  	_ =	swait.ge [sflag:s26], $0x6400  }
0x197: {  	[sflag:s26] =	ssyncset.done $0x0  }
0x198: {  	[sflag:s26] =	ssyncadd.s32 $0xFFFF9C00  }
0x199: {  	_ =	swait.ge [sflag:s26], $0x6400  }
0x19a: {  	[sflag:s26] =	ssyncset.done $0x0  }
0x19b: {  	[sflag:s26] =	ssyncadd.s32 $0xFFFF9C00  }
0x19c: {  	_ =	swait.ge [sflag:s26], $0x6400  }
0x19d: {  	[sflag:s26] =	ssyncset.done $0x0  }
0x19e: {  	[sflag:s26] =	ssyncadd.s32 $0xFFFF9C00  }
0x19f: {  	_ =	swait.ge [sflag:s26], $0x6400  }
0x1a0: {  	[sflag:s26] =	ssyncset.done $0x0  }
0x1a1: {  	[sflag:s26] =	ssyncadd.s32 $0xFFFF9C00  }
0x1a2: {  	_ =	swait.ge [sflag:s26], $0x6400  }
0x1a3: {  	[sflag:s26] =	ssyncset.done $0x0  }
0x1a4: {  	[sflag:s26] =	ssyncadd.s32 $0xFFFF9C00  }
0x1a5: {  	_ =	swait.ge [sflag:s26], $0x6400  }
0x1a6: {  	[sflag:s26] =	ssyncset.done $0x0  }
0x1a7: {  	[sflag:s26] =	ssyncadd.s32 $0xFFFF9C00  }
0x1a8: {  	_ =	swait.ge [sflag:s26], $0x6400  }
0x1a9: {  	[sflag:s26] =	ssyncset.done $0x0  }
0x1aa: {  	[sflag:s26] =	ssyncadd.s32 $0xFFFF9C00  }
0x1ab: {  	_ =	swait.ge [sflag:s26], $0x6400  }
0x1ac: {  	[sflag:s26] =	ssyncset.done $0x0  }
0x1ad: {  	[sflag:s26] =	ssyncadd.s32 $0xFFFF9C00  }
0x1ae: {  	_ =	swait.ge [sflag:s26], $0x6400  }
0x1af: {  	[sflag:s26] =	ssyncset.done $0x0  }
0x1b0: {  	[sflag:s26] =	ssyncadd.s32 $0xFFFF9C00  }
0x1b1: {  	_ =	swait.ge [sflag:s26], $0x6400  }
0x1b2: {  	[sflag:s26] =	ssyncset.done $0x0  }
0x1b3: {  	[sflag:s26] =	ssyncadd.s32 $0xFFFF9C00  }
0x1b4: {  	_ =	swait.ge [sflag:s26], $0x6400  }
0x1b5: {  	[sflag:s26] =	ssyncset.done $0x0  }
0x1b6: {  	[sflag:s26] =	ssyncadd.s32 $0xFFFF9C00  }
0x1b7: {  	_ =	swait.ge [sflag:s26], $0x6400  }
0x1b8: {  	[sflag:s26] =	ssyncset.done $0x0  }
0x1b9: {  	[sflag:s26] =	ssyncadd.s32 $0xFFFF9C00  }
0x1ba: {  	_ =	swait.ge [sflag:s26], $0x6400  }
0x1bb: {  	[sflag:s26] =	ssyncset.done $0x0  }
0x1bc: {  	[sflag:s26] =	ssyncadd.s32 $0xFFFF9C00  }
0x1bd: {  	_ =	swait.ge [sflag:s26], $0x6400  }
0x1be: {  	[sflag:s26] =	ssyncset.done $0x0  }
0x1bf: {  	[sflag:s26] =	ssyncadd.s32 $0xFFFF9C00  }
0x1c0: {  	_ =	swait.ge [sflag:s26], $0x6400  }
0x1c1: {  	[sflag:s26] =	ssyncset.done $0x0  }
0x1c2: {  	[sflag:s26] =	ssyncadd.s32 $0xFFFF9C00  }
0x1c3: {  	_ =	swait.ge [sflag:s26], $0x6400  }
0x1c4: {  	[sflag:s26] =	ssyncset.done $0x0  }
0x1c5: {  	[sflag:s26] =	ssyncadd.s32 $0xFFFF9C00  }
0x1c6: {  	_ =	swait.ge [sflag:s26], $0x6400  }
0x1c7: {  	[sflag:s26] =	ssyncset.done $0x0  }
0x1c8: {  	[sflag:s26] =	ssyncadd.s32 $0xFFFF9C00  }
0x1c9: {  	_ =	swait.ge [sflag:s26], $0x6400  }
0x1ca: {  	[sflag:s26] =	ssyncset.done $0x0  }
0x1cb: {  	[sflag:s26] =	ssyncadd.s32 $0xFFFF9C00  }
0x1cc: {  	_ =	swait.ge [sflag:s26], $0x6400  }
0x1cd: {  	[sflag:s26] =	ssyncset.done $0x0  }
0x1ce: {  	[sflag:s26] =	ssyncadd.s32 $0xFFFF9C00  }
0x1cf: {  	_ =	swait.ge [sflag:s26], $0x6400  }
0x1d0: {  	[sflag:s26] =	ssyncset.done $0x0  }
0x1d1: {  	[sflag:s26] =	ssyncadd.s32 $0xFFFF9C00  }
0x1d2: {  	_ =	swait.ge [sflag:s26], $0x6400  }
0x1d3: {  	[sflag:s26] =	ssyncset.done $0x0  }
0x1d4: {  	[sflag:s26] =	ssyncadd.s32 $0xFFFF9C00  }
0x1d5: {  	_ =	swait.ge [sflag:s26], $0x6400  }
0x1d6: {  	[sflag:s26] =	ssyncset.done $0x0  }
0x1d7: {  	[sflag:s26] =	ssyncadd.s32 $0xFFFF9C00  }
0x1d8: {  	_ =	swait.ge [sflag:s26], $0x6400  }
0x1d9: {  	[sflag:s26] =	ssyncset.done $0x0  }
0x1da: {  	[sflag:s26] =	ssyncadd.s32 $0xFFFF9C00  }
0x1db: {  	_ =	swait.ge [sflag:s26], $0x6400  }
0x1dc: {  	[sflag:s26] =	ssyncset.done $0x0  }
0x1dd: {  	[sflag:s26] =	ssyncadd.s32 $0xFFFF9C00  }
0x1de: {  	_ =	swait.ge [sflag:s26], $0x6400  }
0x1df: {  	[sflag:s26] =	ssyncset.done $0x0  }
0x1e0: {  	s28 =	sadd.s32 $0x1, s28;
	[sflag:s26] =	ssyncadd.s32 $0xFFFF9C00  }
0x1e1: {  	p0 =	sne.s32 s28, s24;
	_ =	swait.ge [sflag:s26], $0x6400  }
.Ltmp1:
0x1e2: {  	[sflag:s26] =	ssyncset.done $0x0;
	(pc) =	sbr.rel @p0 .LBB2_1-.Ltmp1, $4  }
0x1e3: {  	[sflag:s26] =	ssyncadd.s32 $0xFFFF9C00  }
0x1e4: {  	_ =	swait.ge [sflag:s26], $0x6400  }
0x1e5: {  	[sflag:s26] =	ssyncset.done $0x0  }
0x1e6: {  	[sflag:s26] =	ssyncadd.s32 $0xFFFF9C00  }
0x1e7: {  	_ =	sfence.sel $0x180000  }
0x1e8: {  	[bflag:$0x0] =	sbarrier.arrive $0xFFFF  }
0x1e9: {  	_ =	strace $0x90000047  }
0x1ea: {  	s0 =	stileid.u32;
	[bflag:$0x2] =	sbarrier.arrive $0xFFFF  }
0x1eb: {  	p0 =	sne.s32 s0, $0x0;
	s0 =	rddreg [dreg:$0x2]  }
0x1ec: {  	s0 =	sadd.s32 @!p0 $0x100000, s0  }
0x1ed: {  	[sflag:s0] =	ssyncadd.tile.s32 @!p0 $0x1;
	_ =	shalt  }
.Lfunc_end2:
_tile_overlayer_lowered:
.L_overlay_start_2:
0x1ee: {  	(tag) =	ssettag $0x2  }
0x1ef: {  	s0 =	rddreg [dreg:$0x0];
	s2 =	stileid.u32  }
0x1f0: {  	s1 =	rddreg [dreg:$0x1];
	p0 =	sne.s32 s2, $0x0  }
0x1f1: {  	s3 =	rddreg [dreg:$0x2];
	[bflag:$0x3] =	sbarrier.arrive $0xFFFF;
	s2 =	simm.s32 @!p0 $0x1C02  }
0x1f2: {  	[timem:s3], [sflag:s2] =	dma.local @!p0 [hbm:s0], s1  }
0x1f3: {  	s0 =	simm.s32 @!p0 $0x2  }
0x1f4: {  	_ =	swait.ge @!p0 [sflag:s0], s1  }
0x1f5: {  	s1 =	ssub.s32 @!p0 $0x0, s1;
	[sflag:s0] =	ssyncset.done @!p0 $0x0  }
0x1f6: {  	[sflag:s0] =	ssyncadd.s32 @!p0 s1  }
0x1f7: {  	[bflag:$0x3] =	sbarrier.arrive $0xFFFF  }
0x1f8: {  	_ =	shalt  }

</sc_bundles>
